<compile_context>
chip_gen: v7x
topology: tpu7x:2x2x1
jax: 0.10.2.dev20260603
libtpu: 0.0.44.dev20260713+nightly
codegen_flags: <defaults>
</compile_context>

<pallas_src>
import functools

import jax
import jax.numpy as jnp
from jax import lax
from jax.experimental import pallas as pl
from jax.experimental.pallas import tpu as pltpu
from jax.experimental.pallas import tpu_sc as plsc


def _fps_body(npoint, coords_ref, idx_ref, newc_ref, dist_ref):
    _, B, N = coords_ref.shape
    BLK = 128
    dist_ref[...] = jnp.full((B, N), 1e10, dtype=jnp.float32)
    lane = lax.broadcasted_iota(jnp.int32, (B, BLK), 1)

    CH = 512
    nch = N // CH
    io0 = lax.broadcasted_iota(jnp.int32, (B, CH), 1)

    def inner(k, carry):
        far, bi, bx, by, bz = carry
        accx = accy = accz = None
        for c in range(nch):
            sl = pl.ds(c * CH, CH)
            oh = io0 == (far - c * CH)
            px = jnp.where(oh, coords_ref[0, :, sl], 0.0)
            py = jnp.where(oh, coords_ref[1, :, sl], 0.0)
            pz = jnp.where(oh, coords_ref[2, :, sl], 0.0)
            accx = px if c == 0 else accx + px
            accy = py if c == 0 else accy + py
            accz = pz if c == 0 else accz + pz
        cx = jnp.sum(accx, axis=1, keepdims=True)
        cy = jnp.sum(accy, axis=1, keepdims=True)
        cz = jnp.sum(accz, axis=1, keepdims=True)
        sel = lane == k
        bi = jnp.where(sel, far, bi)
        bx = jnp.where(sel, cx, bx)
        by = jnp.where(sel, cy, by)
        bz = jnp.where(sel, cz, bz)
        pm = None
        for c in range(nch):
            sl = pl.ds(c * CH, CH)
            dx = coords_ref[0, :, sl] - cx
            dy = coords_ref[1, :, sl] - cy
            dz = coords_ref[2, :, sl] - cz
            d = (dx * dx + dz * dz) + dy * dy
            dn = jnp.minimum(dist_ref[:, sl], d)
            dist_ref[:, sl] = dn
            pm = dn if c == 0 else jnp.maximum(pm, dn)
        m = jnp.max(pm, axis=1, keepdims=True)
        cm = None
        for c in range(nch):
            sl = pl.ds(c * CH, CH)
            candc = jnp.where(dist_ref[:, sl] == m, io0 + c * CH, N)
            cm = candc if c == 0 else jnp.minimum(cm, candc)
        nf = jnp.min(cm, axis=1, keepdims=True)
        return (nf, bi, bx, by, bz)

    def outer(j, far):
        zi = jnp.zeros((B, BLK), jnp.int32)
        zf = jnp.zeros((B, BLK), jnp.float32)
        far, bi, bx, by, bz = lax.fori_loop(0, BLK, inner, (far, zi, zf, zf, zf))
        base = pl.multiple_of(j * BLK, BLK)
        idx_ref[:, pl.ds(base, BLK)] = bi
        newc_ref[0, :, pl.ds(base, BLK)] = bx
        newc_ref[1, :, pl.ds(base, BLK)] = by
        newc_ref[2, :, pl.ds(base, BLK)] = bz
        return far

    lax.fori_loop(0, npoint // BLK, outer, jnp.zeros((B, 1), jnp.int32))


def _fps(coords, npoint, interpret=False):
    C, B, N = coords.shape
    return pl.pallas_call(
        functools.partial(_fps_body, npoint),
        out_shape=(
            jax.ShapeDtypeStruct((B, npoint), jnp.int32),
            jax.ShapeDtypeStruct((C, B, npoint), jnp.float32),
        ),
        scratch_shapes=[pltpu.VMEM((B, N), jnp.float32)],
        interpret=interpret,
    )(coords)


def _values_gather(values_rows, idx, N):
    BN, D = values_rows.shape
    B, S = idx.shape
    info = plsc.get_sparse_core_info()
    nw = info.num_cores * info.num_subcores
    per = nw // B
    spw = S // per
    CH = 128

    @functools.partial(
        pl.kernel,
        mesh=plsc.VectorSubcoreMesh(core_axis_name="c", subcore_axis_name="s"),
        compiler_params=pltpu.CompilerParams(use_tc_tiling_on_sc=False),
        out_type=jax.ShapeDtypeStruct((B * S, D), jnp.float32),
        scratch_types=[
            pltpu.VMEM((spw,), jnp.int32),
            pltpu.VMEM((spw, D), jnp.float32),
            pltpu.SemaphoreType.DMA,
        ],
    )
    def gather_k(table_hbm, idx_hbm, out_hbm, idx_v, rows_v, sem):
        wid = lax.axis_index("s") * info.num_cores + lax.axis_index("c")
        b = wid // per
        s0 = (wid % per) * spw
        pltpu.sync_copy(idx_hbm.at[b, pl.ds(s0, spw)], idx_v)
        off = b * N

        def addoff(k, c):
            idx_v[pl.ds(k * 16, 16)] = idx_v[pl.ds(k * 16, 16)] + off
            return c

        lax.fori_loop(0, spw // 16, addoff, 0)

        copies = [
            pltpu.async_copy(
                table_hbm.at[idx_v.at[pl.ds(c * CH, CH)]],
                rows_v.at[pl.ds(c * CH, CH), :],
                sem,
            )
            for c in range(spw // CH)
        ]
        for cp in copies:
            cp.wait()
        row0 = b * S + s0
        pltpu.sync_copy(rows_v, out_hbm.at[pl.ds(row0, spw), :])

    return gather_k(values_rows, idx)


def kernel(coords, values):
    B, C, N = coords.shape
    D = values.shape[1]
    npoint = N // 2
    fps_idx, newc_cm = _fps(jnp.transpose(coords, (1, 0, 2)), npoint)
    new_coords = jnp.transpose(newc_cm, (1, 0, 2))
    values_rows = jnp.transpose(values, (0, 2, 1)).reshape(B * N, D)
    gathered = _values_gather(values_rows, fps_idx, N)
    new_values = jnp.transpose(gathered.reshape(B, npoint, D), (0, 2, 1))
    return (new_coords, new_values)

# --- scband reference (transcript-rebuilt; emitter-appended) ---
"""Pipeline reference for scband-farthest-subsample-2765958938835 (READ-ONLY COPY).

The authoritative reference and input builder live on the scoring server;
editing this copy changes nothing except your own understanding.
"""

import jax, jax.numpy as jnp
import numpy as np


def farthest_point_sample(xyz, npoint):
    B, N, C = xyz.shape
    centroids0 = jnp.zeros((B, npoint), dtype=jnp.int32)
    distance0 = jnp.full((B, N), 1e10, dtype=xyz.dtype)
    farthest0 = jnp.zeros((B,), dtype=jnp.int32)

    def body(i, state):
        centroids, distance, farthest = state
        centroids = centroids.at[:, i].set(farthest)
        centroid = jnp.take_along_axis(xyz, farthest[:, None, None], axis=1)  # [B,1,C]
        dist = jnp.sum((xyz - centroid) ** 2, axis=-1)  # [B,N]
        distance = jnp.minimum(distance, dist)
        farthest = jnp.argmax(distance, axis=-1).astype(jnp.int32)
        return (centroids, distance, farthest)

    centroids, _, _ = jax.lax.fori_loop(0, npoint, body, (centroids0, distance0, farthest0))
    return centroids


def index_points(points, idx):
    # points: [B, N, C], idx: [B, S] -> [B, S, C]
    return jnp.take_along_axis(points, idx[:, :, None], axis=1)


def setup_inputs(seed: int = 0):
    key = jax.random.key(seed)
    k1, k2 = jax.random.split(key)
    coords = jax.random.normal(k1, (16, 3, 4096), dtype=jnp.float32)
    values = jax.random.normal(k2, (16, 64, 4096), dtype=jnp.float32)
    return {"coords": coords, "values": values}


def reference(coords, values):
    ds_frac = 0.5
    coords_t = jnp.transpose(coords, (0, 2, 1))  # [B, N, 3]
    values_t = jnp.transpose(values, (0, 2, 1))  # [B, N, D]
    npoint = int(np.round(coords_t.shape[1] * ds_frac))
    fps_idx = farthest_point_sample(coords_t, npoint)  # [B, npoint]
    new_coords = jnp.transpose(index_points(coords_t, fps_idx), (0, 2, 1))
    new_values = jnp.transpose(index_points(values_t, fps_idx), (0, 2, 1))
    return (new_coords, new_values)

if __name__ == "__main__":
    import jax
    _d = setup_inputs()
    print(jax.jit(kernel)(*tuple(_d.values())))

</pallas_src>

<mosaic_0001>
#map = affine_map<(d0, d1) -> (0, 0)>
module attributes {stable_mosaic.version = 14 : i64} {
  func.func @gather_k(%arg0: i32, %arg1: i32, %arg2: memref<65536x64xf32, #tpu.memory_space<hbm>>, %arg3: memref<16x2048xi32, #tpu.memory_space<hbm>>, %arg4: memref<32768x64xf32, #tpu.memory_space<hbm>>, %arg5: memref<1024xi32, #tpu.memory_space<vmem>>, %arg6: memref<1024x64xf32, #tpu.memory_space<vmem>>, %arg7: memref<!tpu.dma_semaphore, #tpu.memory_space<semaphore_mem>>) attributes {dimension_semantics = [#tpu.dimension_semantics<core_parallel>, #tpu.dimension_semantics<subcore_parallel>], iteration_bounds = array<i64: 2, 16>, scalar_prefetch = 0 : i64, scratch_operands = 3 : i64, tpu.core_type = #tpu.core_type<sc_vector_subcore>, window_params = [{transform_indices = #map}, {transform_indices = #map}, {transform_indices = #map}]} {
    %mul3A = arith.constant 2 : i32
    %mul3A_0 = arith.muli %arg1, %mul3A : i32
    %add3A = arith.addi %mul3A_0, %arg0 : i32
    %jit3A = arith.constant 2 : i32
    %div3A = arith.divsi %add3A, %jit3A : i32
    %sign3A = arith.constant 0 : i32
    %sign3A_1 = arith.cmpi sgt, %add3A, %sign3A : i32
    %sign3A_2 = arith.extui %sign3A_1 : i1 to i32
    %sign3A_3 = arith.constant 0 : i32
    %sign3A_4 = arith.cmpi slt, %add3A, %sign3A_3 : i32
    %sign3A_5 = arith.extui %sign3A_4 : i1 to i32
    %sign3A_6 = arith.subi %sign3A_2, %sign3A_5 : i32
    %sign3A_7 = arith.constant 0 : i32
    %sign3A_8 = arith.cmpi sgt, %jit3A, %sign3A_7 : i32
    %sign3A_9 = arith.extui %sign3A_8 : i1 to i32
    %sign3A_10 = arith.constant 0 : i32
    %sign3A_11 = arith.cmpi slt, %jit3A, %sign3A_10 : i32
    %sign3A_12 = arith.extui %sign3A_11 : i1 to i32
    %sign3A_13 = arith.subi %sign3A_9, %sign3A_12 : i32
    %ne3A = arith.cmpi ne, %sign3A_6, %sign3A_13 : i32
    %rem3A = arith.remsi %add3A, %jit3A : i32
    %ne3A_14 = arith.constant 0 : i32
    %ne3A_15 = arith.cmpi ne, %rem3A, %ne3A_14 : i32
    %and3A = arith.andi %ne3A, %ne3A_15 : i1
    %sub3A = arith.constant 1 : i32
    %sub3A_16 = arith.subi %div3A, %sub3A : i32
    %select_n3A = arith.select %and3A, %sub3A_16, %div3A : i32
    %jit3A_17 = arith.constant 2 : i32
    %eq3A = arith.constant 0 : i32
    %eq3A_18 = arith.cmpi eq, %jit3A_17, %eq3A : i32
    %jit3A_19 = arith.constant 1 : i32
    %select_n3A_20 = arith.select %eq3A_18, %jit3A_19, %jit3A_17 : i32
    %rem3A_21 = arith.remsi %add3A, %select_n3A_20 : i32
    %ne3A_22 = arith.constant 0 : i32
    %ne3A_23 = arith.cmpi ne, %rem3A_21, %ne3A_22 : i32
    %lt3A = arith.constant 0 : i32
    %lt3A_24 = arith.cmpi slt, %rem3A_21, %lt3A : i32
    %lt3A_25 = arith.constant 0 : i32
    %lt3A_26 = arith.cmpi slt, %select_n3A_20, %lt3A_25 : i32
    %ne3A_27 = arith.xori %lt3A_24, %lt3A_26 : i1
    %and3A_28 = arith.andi %ne3A_27, %ne3A_23 : i1
    %add3A_29 = arith.addi %rem3A_21, %select_n3A_20 : i32
    %select_n3A_30 = arith.select %and3A_28, %add3A_29, %rem3A_21 : i32
    %mul3A_31 = arith.constant 1024 : i32
    %mul3A_32 = arith.muli %select_n3A_30, %mul3A_31 : i32
    "tpu.region"() ({
      %run_scoped3A = tpu.sem_alloc : memref<!tpu.dma_semaphore, #tpu.memory_space<semaphore_mem>>
      %dma_start3A_169 = tpu.memref_slice %arg3[%select_n3A, %mul3A_32] : memref<16x2048xi32, #tpu.memory_space<hbm>> -> memref<1x1024xi32, #tpu.memory_space<hbm>>
      %dma_start3A_170 = tpu.memref_squeeze %dma_start3A_169 : memref<1x1024xi32, #tpu.memory_space<hbm>> -> memref<1024xi32, #tpu.memory_space<hbm>>
      %dma_start3A_171 = tpu.memref_slice %arg3[%select_n3A, %mul3A_32] : memref<16x2048xi32, #tpu.memory_space<hbm>> -> memref<1x1024xi32, #tpu.memory_space<hbm>>
      %dma_start3A_172 = tpu.memref_squeeze %dma_start3A_171 : memref<1x1024xi32, #tpu.memory_space<hbm>> -> memref<1024xi32, #tpu.memory_space<hbm>>
      tpu.enqueue_dma source(%dma_start3A_172 : memref<1024xi32, #tpu.memory_space<hbm>>) target(%arg5 : memref<1024xi32, #tpu.memory_space<vmem>>) target_semaphore(%run_scoped3A : memref<!tpu.dma_semaphore, #tpu.memory_space<semaphore_mem>>)
      %dma_wait3A_173 = tpu.memref_slice %arg3[%select_n3A, %mul3A_32] : memref<16x2048xi32, #tpu.memory_space<hbm>> -> memref<1x1024xi32, #tpu.memory_space<hbm>>
      %dma_wait3A_174 = tpu.memref_squeeze %dma_wait3A_173 : memref<1x1024xi32, #tpu.memory_space<hbm>> -> memref<1024xi32, #tpu.memory_space<hbm>>
      %dma_wait3A_175 = tpu.memref_slice %arg3[%select_n3A, %mul3A_32] : memref<16x2048xi32, #tpu.memory_space<hbm>> -> memref<1x1024xi32, #tpu.memory_space<hbm>>
      %dma_wait3A_176 = tpu.memref_squeeze %dma_wait3A_175 : memref<1x1024xi32, #tpu.memory_space<hbm>> -> memref<1024xi32, #tpu.memory_space<hbm>>
      tpu.wait_dma2 semaphore(%run_scoped3A : memref<!tpu.dma_semaphore, #tpu.memory_space<semaphore_mem>>) src(%dma_wait3A_176 : memref<1024xi32, #tpu.memory_space<hbm>>) dst(%arg5 : memref<1024xi32, #tpu.memory_space<vmem>>)
      tpu.yield
    }) : () -> ()
    %mul3A_33 = arith.constant 4096 : i32
    %mul3A_34 = arith.muli %select_n3A, %mul3A_33 : i32
    %scan3A = arith.constant 0 : i32
    %scan3A_35 = arith.constant 0 : i32
    %scan3A_36 = arith.constant 64 : i32
    %scan3A_37 = arith.addi %scan3A_35, %scan3A_36 : i32
    %scan3A_38 = arith.constant 1 : i32
    scf.for %scan3A_169 = %scan3A_35 to %scan3A_37 step %scan3A_38  : i32 {
      %mul3A_170 = arith.constant 16 : i32
      %mul3A_171 = arith.muli %scan3A_169, %mul3A_170 : i32
      %get3A = arith.index_cast %mul3A_171 : i32 to index
      %get3A_172 = tpu.vector_load %arg5[%get3A] {strides = array<i32>} : memref<1024xi32, #tpu.memory_space<vmem>>, vector<16xi32>,
      %get3A_173 = vector.shape_cast %get3A_172 : vector<16xi32> to vector<16xi32>
      %add3A_174 = vector.broadcast %mul3A_34 : i32 to vector<16xi32>
      %add3A_175 = arith.addi %get3A_173, %add3A_174 : vector<16xi32>
      %mul3A_176 = arith.constant 16 : i32
      %mul3A_177 = arith.muli %scan3A_169, %mul3A_176 : i32
      %swap3A = arith.index_cast %mul3A_177 : i32 to index
      %swap3A_178 = tpu.vector_load %arg5[%swap3A] {strides = array<i32>} : memref<1024xi32, #tpu.memory_space<vmem>>, vector<16xi32>,
      %swap3A_179 = vector.shape_cast %swap3A_178 : vector<16xi32> to vector<16xi32>
      %swap3A_180 = vector.shape_cast %add3A_175 : vector<16xi32> to vector<16xi32>
      tpu.vector_store %arg5[%swap3A], %swap3A_180 {strides = array<i32>} : memref<1024xi32, #tpu.memory_space<vmem>>, vector<16xi32>,
    }
    %scan3A_39 = arith.constant 64 : i32
    %dma_start3A = arith.constant 0 : i32
    %dma_start3A_40 = arith.constant 0 : i32
    %dma_start3A_41 = tpu.memref_slice %arg6[%dma_start3A, %dma_start3A_40] : memref<1024x64xf32, #tpu.memory_space<vmem>> -> memref<128x64xf32, #tpu.memory_space<vmem>>
    %dma_start3A_42 = arith.constant 0 : i32
    %dma_start3A_43 = tpu.memref_slice %arg5[%dma_start3A_42] : memref<1024xi32, #tpu.memory_space<vmem>> -> memref<128xi32, #tpu.memory_space<vmem>>
    %dma_start3A_44 = arith.constant 0 : i32
    %dma_start3A_45 = arith.constant 0 : i32
    %dma_start3A_46 = tpu.memref_slice %arg2[%dma_start3A_44, %dma_start3A_45] : memref<65536x64xf32, #tpu.memory_space<hbm>> -> memref<65536x64xf32, #tpu.memory_space<hbm>>
    tpu.enqueue_indirect_dma source(%dma_start3A_46 : memref<65536x64xf32, #tpu.memory_space<hbm>>) target(%dma_start3A_41 : memref<128x64xf32, #tpu.memory_space<vmem>>) offsets(%dma_start3A_43 : memref<128xi32, #tpu.memory_space<vmem>>) semaphore(%arg7 : memref<!tpu.dma_semaphore, #tpu.memory_space<semaphore_mem>>)
    %dma_start3A_47 = arith.constant 128 : i32
    %dma_start3A_48 = arith.constant 0 : i32
    %dma_start3A_49 = tpu.memref_slice %arg6[%dma_start3A_47, %dma_start3A_48] : memref<1024x64xf32, #tpu.memory_space<vmem>> -> memref<128x64xf32, #tpu.memory_space<vmem>>
    %dma_start3A_50 = arith.constant 128 : i32
    %dma_start3A_51 = tpu.memref_slice %arg5[%dma_start3A_50] : memref<1024xi32, #tpu.memory_space<vmem>> -> memref<128xi32, #tpu.memory_space<vmem>>
    %dma_start3A_52 = arith.constant 0 : i32
    %dma_start3A_53 = arith.constant 0 : i32
    %dma_start3A_54 = tpu.memref_slice %arg2[%dma_start3A_52, %dma_start3A_53] : memref<65536x64xf32, #tpu.memory_space<hbm>> -> memref<65536x64xf32, #tpu.memory_space<hbm>>
    tpu.enqueue_indirect_dma source(%dma_start3A_54 : memref<65536x64xf32, #tpu.memory_space<hbm>>) target(%dma_start3A_49 : memref<128x64xf32, #tpu.memory_space<vmem>>) offsets(%dma_start3A_51 : memref<128xi32, #tpu.memory_space<vmem>>) semaphore(%arg7 : memref<!tpu.dma_semaphore, #tpu.memory_space<semaphore_mem>>)
    %dma_start3A_55 = arith.constant 256 : i32
    %dma_start3A_56 = arith.constant 0 : i32
    %dma_start3A_57 = tpu.memref_slice %arg6[%dma_start3A_55, %dma_start3A_56] : memref<1024x64xf32, #tpu.memory_space<vmem>> -> memref<128x64xf32, #tpu.memory_space<vmem>>
    %dma_start3A_58 = arith.constant 256 : i32
    %dma_start3A_59 = tpu.memref_slice %arg5[%dma_start3A_58] : memref<1024xi32, #tpu.memory_space<vmem>> -> memref<128xi32, #tpu.memory_space<vmem>>
    %dma_start3A_60 = arith.constant 0 : i32
    %dma_start3A_61 = arith.constant 0 : i32
    %dma_start3A_62 = tpu.memref_slice %arg2[%dma_start3A_60, %dma_start3A_61] : memref<65536x64xf32, #tpu.memory_space<hbm>> -> memref<65536x64xf32, #tpu.memory_space<hbm>>
    tpu.enqueue_indirect_dma source(%dma_start3A_62 : memref<65536x64xf32, #tpu.memory_space<hbm>>) target(%dma_start3A_57 : memref<128x64xf32, #tpu.memory_space<vmem>>) offsets(%dma_start3A_59 : memref<128xi32, #tpu.memory_space<vmem>>) semaphore(%arg7 : memref<!tpu.dma_semaphore, #tpu.memory_space<semaphore_mem>>)
    %dma_start3A_63 = arith.constant 384 : i32
    %dma_start3A_64 = arith.constant 0 : i32
    %dma_start3A_65 = tpu.memref_slice %arg6[%dma_start3A_63, %dma_start3A_64] : memref<1024x64xf32, #tpu.memory_space<vmem>> -> memref<128x64xf32, #tpu.memory_space<vmem>>
    %dma_start3A_66 = arith.constant 384 : i32
    %dma_start3A_67 = tpu.memref_slice %arg5[%dma_start3A_66] : memref<1024xi32, #tpu.memory_space<vmem>> -> memref<128xi32, #tpu.memory_space<vmem>>
    %dma_start3A_68 = arith.constant 0 : i32
    %dma_start3A_69 = arith.constant 0 : i32
    %dma_start3A_70 = tpu.memref_slice %arg2[%dma_start3A_68, %dma_start3A_69] : memref<65536x64xf32, #tpu.memory_space<hbm>> -> memref<65536x64xf32, #tpu.memory_space<hbm>>
    tpu.enqueue_indirect_dma source(%dma_start3A_70 : memref<65536x64xf32, #tpu.memory_space<hbm>>) target(%dma_start3A_65 : memref<128x64xf32, #tpu.memory_space<vmem>>) offsets(%dma_start3A_67 : memref<128xi32, #tpu.memory_space<vmem>>) semaphore(%arg7 : memref<!tpu.dma_semaphore, #tpu.memory_space<semaphore_mem>>)
    %dma_start3A_71 = arith.constant 512 : i32
    %dma_start3A_72 = arith.constant 0 : i32
    %dma_start3A_73 = tpu.memref_slice %arg6[%dma_start3A_71, %dma_start3A_72] : memref<1024x64xf32, #tpu.memory_space<vmem>> -> memref<128x64xf32, #tpu.memory_space<vmem>>
    %dma_start3A_74 = arith.constant 512 : i32
    %dma_start3A_75 = tpu.memref_slice %arg5[%dma_start3A_74] : memref<1024xi32, #tpu.memory_space<vmem>> -> memref<128xi32, #tpu.memory_space<vmem>>
    %dma_start3A_76 = arith.constant 0 : i32
    %dma_start3A_77 = arith.constant 0 : i32
    %dma_start3A_78 = tpu.memref_slice %arg2[%dma_start3A_76, %dma_start3A_77] : memref<65536x64xf32, #tpu.memory_space<hbm>> -> memref<65536x64xf32, #tpu.memory_space<hbm>>
    tpu.enqueue_indirect_dma source(%dma_start3A_78 : memref<65536x64xf32, #tpu.memory_space<hbm>>) target(%dma_start3A_73 : memref<128x64xf32, #tpu.memory_space<vmem>>) offsets(%dma_start3A_75 : memref<128xi32, #tpu.memory_space<vmem>>) semaphore(%arg7 : memref<!tpu.dma_semaphore, #tpu.memory_space<semaphore_mem>>)
    %dma_start3A_79 = arith.constant 640 : i32
    %dma_start3A_80 = arith.constant 0 : i32
    %dma_start3A_81 = tpu.memref_slice %arg6[%dma_start3A_79, %dma_start3A_80] : memref<1024x64xf32, #tpu.memory_space<vmem>> -> memref<128x64xf32, #tpu.memory_space<vmem>>
    %dma_start3A_82 = arith.constant 640 : i32
    %dma_start3A_83 = tpu.memref_slice %arg5[%dma_start3A_82] : memref<1024xi32, #tpu.memory_space<vmem>> -> memref<128xi32, #tpu.memory_space<vmem>>
    %dma_start3A_84 = arith.constant 0 : i32
    %dma_start3A_85 = arith.constant 0 : i32
    %dma_start3A_86 = tpu.memref_slice %arg2[%dma_start3A_84, %dma_start3A_85] : memref<65536x64xf32, #tpu.memory_space<hbm>> -> memref<65536x64xf32, #tpu.memory_space<hbm>>
    tpu.enqueue_indirect_dma source(%dma_start3A_86 : memref<65536x64xf32, #tpu.memory_space<hbm>>) target(%dma_start3A_81 : memref<128x64xf32, #tpu.memory_space<vmem>>) offsets(%dma_start3A_83 : memref<128xi32, #tpu.memory_space<vmem>>) semaphore(%arg7 : memref<!tpu.dma_semaphore, #tpu.memory_space<semaphore_mem>>)
    %dma_start3A_87 = arith.constant 768 : i32
    %dma_start3A_88 = arith.constant 0 : i32
    %dma_start3A_89 = tpu.memref_slice %arg6[%dma_start3A_87, %dma_start3A_88] : memref<1024x64xf32, #tpu.memory_space<vmem>> -> memref<128x64xf32, #tpu.memory_space<vmem>>
    %dma_start3A_90 = arith.constant 768 : i32
    %dma_start3A_91 = tpu.memref_slice %arg5[%dma_start3A_90] : memref<1024xi32, #tpu.memory_space<vmem>> -> memref<128xi32, #tpu.memory_space<vmem>>
    %dma_start3A_92 = arith.constant 0 : i32
    %dma_start3A_93 = arith.constant 0 : i32
    %dma_start3A_94 = tpu.memref_slice %arg2[%dma_start3A_92, %dma_start3A_93] : memref<65536x64xf32, #tpu.memory_space<hbm>> -> memref<65536x64xf32, #tpu.memory_space<hbm>>
    tpu.enqueue_indirect_dma source(%dma_start3A_94 : memref<65536x64xf32, #tpu.memory_space<hbm>>) target(%dma_start3A_89 : memref<128x64xf32, #tpu.memory_space<vmem>>) offsets(%dma_start3A_91 : memref<128xi32, #tpu.memory_space<vmem>>) semaphore(%arg7 : memref<!tpu.dma_semaphore, #tpu.memory_space<semaphore_mem>>)
    %dma_start3A_95 = arith.constant 896 : i32
    %dma_start3A_96 = arith.constant 0 : i32
    %dma_start3A_97 = tpu.memref_slice %arg6[%dma_start3A_95, %dma_start3A_96] : memref<1024x64xf32, #tpu.memory_space<vmem>> -> memref<128x64xf32, #tpu.memory_space<vmem>>
    %dma_start3A_98 = arith.constant 896 : i32
    %dma_start3A_99 = tpu.memref_slice %arg5[%dma_start3A_98] : memref<1024xi32, #tpu.memory_space<vmem>> -> memref<128xi32, #tpu.memory_space<vmem>>
    %dma_start3A_100 = arith.constant 0 : i32
    %dma_start3A_101 = arith.constant 0 : i32
    %dma_start3A_102 = tpu.memref_slice %arg2[%dma_start3A_100, %dma_start3A_101] : memref<65536x64xf32, #tpu.memory_space<hbm>> -> memref<65536x64xf32, #tpu.memory_space<hbm>>
    tpu.enqueue_indirect_dma source(%dma_start3A_102 : memref<65536x64xf32, #tpu.memory_space<hbm>>) target(%dma_start3A_97 : memref<128x64xf32, #tpu.memory_space<vmem>>) offsets(%dma_start3A_99 : memref<128xi32, #tpu.memory_space<vmem>>) semaphore(%arg7 : memref<!tpu.dma_semaphore, #tpu.memory_space<semaphore_mem>>)
    %dma_wait3A = arith.constant 0 : i32
    %dma_wait3A_103 = arith.constant 0 : i32
    %dma_wait3A_104 = tpu.memref_slice %arg6[%dma_wait3A, %dma_wait3A_103] : memref<1024x64xf32, #tpu.memory_space<vmem>> -> memref<128x64xf32, #tpu.memory_space<vmem>>
    %dma_wait3A_105 = arith.constant 0 : i32
    %dma_wait3A_106 = tpu.memref_slice %arg5[%dma_wait3A_105] : memref<1024xi32, #tpu.memory_space<vmem>> -> memref<128xi32, #tpu.memory_space<vmem>>
    %dma_wait3A_107 = arith.constant 0 : i32
    %dma_wait3A_108 = arith.constant 0 : i32
    %dma_wait3A_109 = tpu.memref_slice %arg2[%dma_wait3A_107, %dma_wait3A_108] : memref<65536x64xf32, #tpu.memory_space<hbm>> -> memref<65536x64xf32, #tpu.memory_space<hbm>>
    tpu.wait_indirect_dma semaphore(%arg7 : memref<!tpu.dma_semaphore, #tpu.memory_space<semaphore_mem>>) src(%dma_wait3A_109 : memref<65536x64xf32, #tpu.memory_space<hbm>>) dst(%dma_wait3A_104 : memref<128x64xf32, #tpu.memory_space<vmem>>)
    %dma_wait3A_110 = arith.constant 128 : i32
    %dma_wait3A_111 = arith.constant 0 : i32
    %dma_wait3A_112 = tpu.memref_slice %arg6[%dma_wait3A_110, %dma_wait3A_111] : memref<1024x64xf32, #tpu.memory_space<vmem>> -> memref<128x64xf32, #tpu.memory_space<vmem>>
    %dma_wait3A_113 = arith.constant 128 : i32
    %dma_wait3A_114 = tpu.memref_slice %arg5[%dma_wait3A_113] : memref<1024xi32, #tpu.memory_space<vmem>> -> memref<128xi32, #tpu.memory_space<vmem>>
    %dma_wait3A_115 = arith.constant 0 : i32
    %dma_wait3A_116 = arith.constant 0 : i32
    %dma_wait3A_117 = tpu.memref_slice %arg2[%dma_wait3A_115, %dma_wait3A_116] : memref<65536x64xf32, #tpu.memory_space<hbm>> -> memref<65536x64xf32, #tpu.memory_space<hbm>>
    tpu.wait_indirect_dma semaphore(%arg7 : memref<!tpu.dma_semaphore, #tpu.memory_space<semaphore_mem>>) src(%dma_wait3A_117 : memref<65536x64xf32, #tpu.memory_space<hbm>>) dst(%dma_wait3A_112 : memref<128x64xf32, #tpu.memory_space<vmem>>)
    %dma_wait3A_118 = arith.constant 256 : i32
    %dma_wait3A_119 = arith.constant 0 : i32
    %dma_wait3A_120 = tpu.memref_slice %arg6[%dma_wait3A_118, %dma_wait3A_119] : memref<1024x64xf32, #tpu.memory_space<vmem>> -> memref<128x64xf32, #tpu.memory_space<vmem>>
    %dma_wait3A_121 = arith.constant 256 : i32
    %dma_wait3A_122 = tpu.memref_slice %arg5[%dma_wait3A_121] : memref<1024xi32, #tpu.memory_space<vmem>> -> memref<128xi32, #tpu.memory_space<vmem>>
    %dma_wait3A_123 = arith.constant 0 : i32
    %dma_wait3A_124 = arith.constant 0 : i32
    %dma_wait3A_125 = tpu.memref_slice %arg2[%dma_wait3A_123, %dma_wait3A_124] : memref<65536x64xf32, #tpu.memory_space<hbm>> -> memref<65536x64xf32, #tpu.memory_space<hbm>>
    tpu.wait_indirect_dma semaphore(%arg7 : memref<!tpu.dma_semaphore, #tpu.memory_space<semaphore_mem>>) src(%dma_wait3A_125 : memref<65536x64xf32, #tpu.memory_space<hbm>>) dst(%dma_wait3A_120 : memref<128x64xf32, #tpu.memory_space<vmem>>)
    %dma_wait3A_126 = arith.constant 384 : i32
    %dma_wait3A_127 = arith.constant 0 : i32
    %dma_wait3A_128 = tpu.memref_slice %arg6[%dma_wait3A_126, %dma_wait3A_127] : memref<1024x64xf32, #tpu.memory_space<vmem>> -> memref<128x64xf32, #tpu.memory_space<vmem>>
    %dma_wait3A_129 = arith.constant 384 : i32
    %dma_wait3A_130 = tpu.memref_slice %arg5[%dma_wait3A_129] : memref<1024xi32, #tpu.memory_space<vmem>> -> memref<128xi32, #tpu.memory_space<vmem>>
    %dma_wait3A_131 = arith.constant 0 : i32
    %dma_wait3A_132 = arith.constant 0 : i32
    %dma_wait3A_133 = tpu.memref_slice %arg2[%dma_wait3A_131, %dma_wait3A_132] : memref<65536x64xf32, #tpu.memory_space<hbm>> -> memref<65536x64xf32, #tpu.memory_space<hbm>>
    tpu.wait_indirect_dma semaphore(%arg7 : memref<!tpu.dma_semaphore, #tpu.memory_space<semaphore_mem>>) src(%dma_wait3A_133 : memref<65536x64xf32, #tpu.memory_space<hbm>>) dst(%dma_wait3A_128 : memref<128x64xf32, #tpu.memory_space<vmem>>)
    %dma_wait3A_134 = arith.constant 512 : i32
    %dma_wait3A_135 = arith.constant 0 : i32
    %dma_wait3A_136 = tpu.memref_slice %arg6[%dma_wait3A_134, %dma_wait3A_135] : memref<1024x64xf32, #tpu.memory_space<vmem>> -> memref<128x64xf32, #tpu.memory_space<vmem>>
    %dma_wait3A_137 = arith.constant 512 : i32
    %dma_wait3A_138 = tpu.memref_slice %arg5[%dma_wait3A_137] : memref<1024xi32, #tpu.memory_space<vmem>> -> memref<128xi32, #tpu.memory_space<vmem>>
    %dma_wait3A_139 = arith.constant 0 : i32
    %dma_wait3A_140 = arith.constant 0 : i32
    %dma_wait3A_141 = tpu.memref_slice %arg2[%dma_wait3A_139, %dma_wait3A_140] : memref<65536x64xf32, #tpu.memory_space<hbm>> -> memref<65536x64xf32, #tpu.memory_space<hbm>>
    tpu.wait_indirect_dma semaphore(%arg7 : memref<!tpu.dma_semaphore, #tpu.memory_space<semaphore_mem>>) src(%dma_wait3A_141 : memref<65536x64xf32, #tpu.memory_space<hbm>>) dst(%dma_wait3A_136 : memref<128x64xf32, #tpu.memory_space<vmem>>)
    %dma_wait3A_142 = arith.constant 640 : i32
    %dma_wait3A_143 = arith.constant 0 : i32
    %dma_wait3A_144 = tpu.memref_slice %arg6[%dma_wait3A_142, %dma_wait3A_143] : memref<1024x64xf32, #tpu.memory_space<vmem>> -> memref<128x64xf32, #tpu.memory_space<vmem>>
    %dma_wait3A_145 = arith.constant 640 : i32
    %dma_wait3A_146 = tpu.memref_slice %arg5[%dma_wait3A_145] : memref<1024xi32, #tpu.memory_space<vmem>> -> memref<128xi32, #tpu.memory_space<vmem>>
    %dma_wait3A_147 = arith.constant 0 : i32
    %dma_wait3A_148 = arith.constant 0 : i32
    %dma_wait3A_149 = tpu.memref_slice %arg2[%dma_wait3A_147, %dma_wait3A_148] : memref<65536x64xf32, #tpu.memory_space<hbm>> -> memref<65536x64xf32, #tpu.memory_space<hbm>>
    tpu.wait_indirect_dma semaphore(%arg7 : memref<!tpu.dma_semaphore, #tpu.memory_space<semaphore_mem>>) src(%dma_wait3A_149 : memref<65536x64xf32, #tpu.memory_space<hbm>>) dst(%dma_wait3A_144 : memref<128x64xf32, #tpu.memory_space<vmem>>)
    %dma_wait3A_150 = arith.constant 768 : i32
    %dma_wait3A_151 = arith.constant 0 : i32
    %dma_wait3A_152 = tpu.memref_slice %arg6[%dma_wait3A_150, %dma_wait3A_151] : memref<1024x64xf32, #tpu.memory_space<vmem>> -> memref<128x64xf32, #tpu.memory_space<vmem>>
    %dma_wait3A_153 = arith.constant 768 : i32
    %dma_wait3A_154 = tpu.memref_slice %arg5[%dma_wait3A_153] : memref<1024xi32, #tpu.memory_space<vmem>> -> memref<128xi32, #tpu.memory_space<vmem>>
    %dma_wait3A_155 = arith.constant 0 : i32
    %dma_wait3A_156 = arith.constant 0 : i32
    %dma_wait3A_157 = tpu.memref_slice %arg2[%dma_wait3A_155, %dma_wait3A_156] : memref<65536x64xf32, #tpu.memory_space<hbm>> -> memref<65536x64xf32, #tpu.memory_space<hbm>>
    tpu.wait_indirect_dma semaphore(%arg7 : memref<!tpu.dma_semaphore, #tpu.memory_space<semaphore_mem>>) src(%dma_wait3A_157 : memref<65536x64xf32, #tpu.memory_space<hbm>>) dst(%dma_wait3A_152 : memref<128x64xf32, #tpu.memory_space<vmem>>)
    %dma_wait3A_158 = arith.constant 896 : i32
    %dma_wait3A_159 = arith.constant 0 : i32
    %dma_wait3A_160 = tpu.memref_slice %arg6[%dma_wait3A_158, %dma_wait3A_159] : memref<1024x64xf32, #tpu.memory_space<vmem>> -> memref<128x64xf32, #tpu.memory_space<vmem>>
    %dma_wait3A_161 = arith.constant 896 : i32
    %dma_wait3A_162 = tpu.memref_slice %arg5[%dma_wait3A_161] : memref<1024xi32, #tpu.memory_space<vmem>> -> memref<128xi32, #tpu.memory_space<vmem>>
    %dma_wait3A_163 = arith.constant 0 : i32
    %dma_wait3A_164 = arith.constant 0 : i32
    %dma_wait3A_165 = tpu.memref_slice %arg2[%dma_wait3A_163, %dma_wait3A_164] : memref<65536x64xf32, #tpu.memory_space<hbm>> -> memref<65536x64xf32, #tpu.memory_space<hbm>>
    tpu.wait_indirect_dma semaphore(%arg7 : memref<!tpu.dma_semaphore, #tpu.memory_space<semaphore_mem>>) src(%dma_wait3A_165 : memref<65536x64xf32, #tpu.memory_space<hbm>>) dst(%dma_wait3A_160 : memref<128x64xf32, #tpu.memory_space<vmem>>)
    %mul3A_166 = arith.constant 2048 : i32
    %mul3A_167 = arith.muli %select_n3A, %mul3A_166 : i32
    %add3A_168 = arith.addi %mul3A_167, %mul3A_32 : i32
    "tpu.region"() ({
      %run_scoped3A = tpu.sem_alloc : memref<!tpu.dma_semaphore, #tpu.memory_space<semaphore_mem>>
      %dma_start3A_169 = arith.constant 0 : i32
      %dma_start3A_170 = tpu.memref_slice %arg4[%add3A_168, %dma_start3A_169] : memref<32768x64xf32, #tpu.memory_space<hbm>> -> memref<1024x64xf32, #tpu.memory_space<hbm>>
      %dma_start3A_171 = arith.constant 0 : i32
      %dma_start3A_172 = tpu.memref_slice %arg4[%add3A_168, %dma_start3A_171] : memref<32768x64xf32, #tpu.memory_space<hbm>> -> memref<1024x64xf32, #tpu.memory_space<hbm>>
      tpu.enqueue_dma source(%arg6 : memref<1024x64xf32, #tpu.memory_space<vmem>>) target(%dma_start3A_172 : memref<1024x64xf32, #tpu.memory_space<hbm>>) target_semaphore(%run_scoped3A : memref<!tpu.dma_semaphore, #tpu.memory_space<semaphore_mem>>)
      %dma_wait3A_173 = arith.constant 0 : i32
      %dma_wait3A_174 = tpu.memref_slice %arg4[%add3A_168, %dma_wait3A_173] : memref<32768x64xf32, #tpu.memory_space<hbm>> -> memref<1024x64xf32, #tpu.memory_space<hbm>>
      %dma_wait3A_175 = arith.constant 0 : i32
      %dma_wait3A_176 = tpu.memref_slice %arg4[%add3A_168, %dma_wait3A_175] : memref<32768x64xf32, #tpu.memory_space<hbm>> -> memref<1024x64xf32, #tpu.memory_space<hbm>>
      tpu.wait_dma2 semaphore(%run_scoped3A : memref<!tpu.dma_semaphore, #tpu.memory_space<semaphore_mem>>) src(%arg6 : memref<1024x64xf32, #tpu.memory_space<vmem>>) dst(%dma_wait3A_176 : memref<1024x64xf32, #tpu.memory_space<hbm>>)
      tpu.yield
    }) : () -> ()
    return
  }
}

module attributes {stable_mosaic.version = 14 : i64} {
  func.func @_fps_body(%arg0: memref<3x16x4096xf32, #tpu.memory_space<vmem>>, %arg1: memref<16x2048xi32, #tpu.memory_space<vmem>>, %arg2: memref<3x16x2048xf32, #tpu.memory_space<vmem>>, %arg3: memref<16x4096xf32, #tpu.memory_space<vmem>>) attributes {dimension_semantics = [], scalar_prefetch = 0 : i64, scratch_operands = 1 : i64, tpu.core_type = #tpu.core_type<tc>} {
    %broadcast_in_dim3A = arith.constant 1.000000e+10 : f32
    %broadcast_in_dim3A_0 = vector.broadcast %broadcast_in_dim3A : f32 to vector<16x4096xf32>
    %swap3A = arith.constant 0 : index
    %swap3A_1 = arith.constant 0 : index
    %swap3A_2 = vector.load %arg3[%swap3A, %swap3A_1] : memref<16x4096xf32, #tpu.memory_space<vmem>>, vector<16x4096xf32>
    tpu.vector_store %arg3[%swap3A, %swap3A_1], %broadcast_in_dim3A_0 {strides = array<i32>} : memref<16x4096xf32, #tpu.memory_space<vmem>>, vector<16x4096xf32>,
    %iota3A = tpu.iota {dimensions = array<i32: 1>} : vector<16x128xi32>
    %iota3A_3 = tpu.iota {dimensions = array<i32: 1>} : vector<16x512xi32>
    %broadcast_in_dim3A_4 = arith.constant 0 : i32
    %broadcast_in_dim3A_5 = vector.broadcast %broadcast_in_dim3A_4 : i32 to vector<16x1xi32>
    %scan3A = arith.constant 0 : i32
    %scan3A_6 = arith.constant 16 : i32
    %scan3A_7 = arith.addi %scan3A, %scan3A_6 : i32
    %scan3A_8 = arith.constant 1 : i32
    %scan3A_9 = scf.for %scan3A_11 = %scan3A to %scan3A_7 step %scan3A_8 iter_args(%scan3A_12 = %broadcast_in_dim3A_5) -> (vector<16x1xi32>)  : i32 {
      %broadcast_in_dim3A_13 = arith.constant 0 : i32
      %broadcast_in_dim3A_14 = vector.broadcast %broadcast_in_dim3A_13 : i32 to vector<16x128xi32>
      %broadcast_in_dim3A_15 = arith.constant 0.000000e+00 : f32
      %broadcast_in_dim3A_16 = vector.broadcast %broadcast_in_dim3A_15 : f32 to vector<16x128xf32>
      %scan3A_17 = arith.constant 0 : i32
      %scan3A_18 = arith.constant 128 : i32
      %scan3A_19 = arith.addi %scan3A_17, %scan3A_18 : i32
      %scan3A_20 = arith.constant 1 : i32
      %scan3A_21:5 = scf.for %scan3A_45 = %scan3A_17 to %scan3A_19 step %scan3A_20 iter_args(%scan3A_46 = %scan3A_12, %scan3A_47 = %broadcast_in_dim3A_14, %scan3A_48 = %broadcast_in_dim3A_16, %scan3A_49 = %broadcast_in_dim3A_16, %scan3A_50 = %broadcast_in_dim3A_16) -> (vector<16x1xi32>, vector<16x128xi32>, vector<16x128xf32>, vector<16x128xf32>, vector<16x128xf32>)  : i32 {
        %sub3A = arith.constant 0 : i32
        %sub3A_51 = vector.broadcast %sub3A : i32 to vector<16x1xi32>
        %sub3A_52 = arith.subi %scan3A_46, %sub3A_51 : vector<16x1xi32>
        %eq3A = vector.broadcast %sub3A_52 : vector<16x1xi32> to vector<16x512xi32>
        %eq3A_53 = arith.cmpi eq, %iota3A_3, %eq3A : vector<16x512xi32>
        %get3A = arith.constant 0 : index
        %get3A_54 = arith.constant 0 : index
        %get3A_55 = arith.constant 0 : index
        %get3A_56 = vector.load %arg0[%get3A, %get3A_54, %get3A_55] : memref<3x16x4096xf32, #tpu.memory_space<vmem>>, vector<1x16x512xf32>
        %get3A_57 = vector.shape_cast %get3A_56 : vector<1x16x512xf32> to vector<16x512xf32>
        %jit3A = arith.constant 0.000000e+00 : f32
        %broadcast_in_dim3A_58 = vector.broadcast %jit3A : f32 to vector<16x512xf32>
        %select_n3A = arith.select %eq3A_53, %get3A_57, %broadcast_in_dim3A_58 : vector<16x512xi1>, vector<16x512xf32>
        %get3A_59 = arith.constant 1 : index
        %get3A_60 = arith.constant 0 : index
        %get3A_61 = arith.constant 0 : index
        %get3A_62 = vector.load %arg0[%get3A_59, %get3A_60, %get3A_61] : memref<3x16x4096xf32, #tpu.memory_space<vmem>>, vector<1x16x512xf32>
        %get3A_63 = vector.shape_cast %get3A_62 : vector<1x16x512xf32> to vector<16x512xf32>
        %jit3A_64 = arith.constant 0.000000e+00 : f32
        %broadcast_in_dim3A_65 = vector.broadcast %jit3A_64 : f32 to vector<16x512xf32>
        %select_n3A_66 = arith.select %eq3A_53, %get3A_63, %broadcast_in_dim3A_65 : vector<16x512xi1>, vector<16x512xf32>
        %get3A_67 = arith.constant 2 : index
        %get3A_68 = arith.constant 0 : index
        %get3A_69 = arith.constant 0 : index
        %get3A_70 = vector.load %arg0[%get3A_67, %get3A_68, %get3A_69] : memref<3x16x4096xf32, #tpu.memory_space<vmem>>, vector<1x16x512xf32>
        %get3A_71 = vector.shape_cast %get3A_70 : vector<1x16x512xf32> to vector<16x512xf32>
        %jit3A_72 = arith.constant 0.000000e+00 : f32
        %broadcast_in_dim3A_73 = vector.broadcast %jit3A_72 : f32 to vector<16x512xf32>
        %select_n3A_74 = arith.select %eq3A_53, %get3A_71, %broadcast_in_dim3A_73 : vector<16x512xi1>, vector<16x512xf32>
        %sub3A_75 = arith.constant 512 : i32
        %sub3A_76 = vector.broadcast %sub3A_75 : i32 to vector<16x1xi32>
        %sub3A_77 = arith.subi %scan3A_46, %sub3A_76 : vector<16x1xi32>
        %eq3A_78 = vector.broadcast %sub3A_77 : vector<16x1xi32> to vector<16x512xi32>
        %eq3A_79 = arith.cmpi eq, %iota3A_3, %eq3A_78 : vector<16x512xi32>
        %get3A_80 = arith.constant 0 : index
        %get3A_81 = arith.constant 0 : index
        %get3A_82 = arith.constant 512 : index
        %get3A_83 = vector.load %arg0[%get3A_80, %get3A_81, %get3A_82] : memref<3x16x4096xf32, #tpu.memory_space<vmem>>, vector<1x16x512xf32>
        %get3A_84 = vector.shape_cast %get3A_83 : vector<1x16x512xf32> to vector<16x512xf32>
        %jit3A_85 = arith.constant 0.000000e+00 : f32
        %broadcast_in_dim3A_86 = vector.broadcast %jit3A_85 : f32 to vector<16x512xf32>
        %select_n3A_87 = arith.select %eq3A_79, %get3A_84, %broadcast_in_dim3A_86 : vector<16x512xi1>, vector<16x512xf32>
        %get3A_88 = arith.constant 1 : index
        %get3A_89 = arith.constant 0 : index
        %get3A_90 = arith.constant 512 : index
        %get3A_91 = vector.load %arg0[%get3A_88, %get3A_89, %get3A_90] : memref<3x16x4096xf32, #tpu.memory_space<vmem>>, vector<1x16x512xf32>
        %get3A_92 = vector.shape_cast %get3A_91 : vector<1x16x512xf32> to vector<16x512xf32>
        %jit3A_93 = arith.constant 0.000000e+00 : f32
        %broadcast_in_dim3A_94 = vector.broadcast %jit3A_93 : f32 to vector<16x512xf32>
        %select_n3A_95 = arith.select %eq3A_79, %get3A_92, %broadcast_in_dim3A_94 : vector<16x512xi1>, vector<16x512xf32>
        %get3A_96 = arith.constant 2 : index
        %get3A_97 = arith.constant 0 : index
        %get3A_98 = arith.constant 512 : index
        %get3A_99 = vector.load %arg0[%get3A_96, %get3A_97, %get3A_98] : memref<3x16x4096xf32, #tpu.memory_space<vmem>>, vector<1x16x512xf32>
        %get3A_100 = vector.shape_cast %get3A_99 : vector<1x16x512xf32> to vector<16x512xf32>
        %jit3A_101 = arith.constant 0.000000e+00 : f32
        %broadcast_in_dim3A_102 = vector.broadcast %jit3A_101 : f32 to vector<16x512xf32>
        %select_n3A_103 = arith.select %eq3A_79, %get3A_100, %broadcast_in_dim3A_102 : vector<16x512xi1>, vector<16x512xf32>
        %add3A = arith.addf %select_n3A, %select_n3A_87 : vector<16x512xf32>
        %add3A_104 = arith.addf %select_n3A_66, %select_n3A_95 : vector<16x512xf32>
        %add3A_105 = arith.addf %select_n3A_74, %select_n3A_103 : vector<16x512xf32>
        %sub3A_106 = arith.constant 1024 : i32
        %sub3A_107 = vector.broadcast %sub3A_106 : i32 to vector<16x1xi32>
        %sub3A_108 = arith.subi %scan3A_46, %sub3A_107 : vector<16x1xi32>
        %eq3A_109 = vector.broadcast %sub3A_108 : vector<16x1xi32> to vector<16x512xi32>
        %eq3A_110 = arith.cmpi eq, %iota3A_3, %eq3A_109 : vector<16x512xi32>
        %get3A_111 = arith.constant 0 : index
        %get3A_112 = arith.constant 0 : index
        %get3A_113 = arith.constant 1024 : index
        %get3A_114 = vector.load %arg0[%get3A_111, %get3A_112, %get3A_113] : memref<3x16x4096xf32, #tpu.memory_space<vmem>>, vector<1x16x512xf32>
        %get3A_115 = vector.shape_cast %get3A_114 : vector<1x16x512xf32> to vector<16x512xf32>
        %jit3A_116 = arith.constant 0.000000e+00 : f32
        %broadcast_in_dim3A_117 = vector.broadcast %jit3A_116 : f32 to vector<16x512xf32>
        %select_n3A_118 = arith.select %eq3A_110, %get3A_115, %broadcast_in_dim3A_117 : vector<16x512xi1>, vector<16x512xf32>
        %get3A_119 = arith.constant 1 : index
        %get3A_120 = arith.constant 0 : index
        %get3A_121 = arith.constant 1024 : index
        %get3A_122 = vector.load %arg0[%get3A_119, %get3A_120, %get3A_121] : memref<3x16x4096xf32, #tpu.memory_space<vmem>>, vector<1x16x512xf32>
        %get3A_123 = vector.shape_cast %get3A_122 : vector<1x16x512xf32> to vector<16x512xf32>
        %jit3A_124 = arith.constant 0.000000e+00 : f32
        %broadcast_in_dim3A_125 = vector.broadcast %jit3A_124 : f32 to vector<16x512xf32>
        %select_n3A_126 = arith.select %eq3A_110, %get3A_123, %broadcast_in_dim3A_125 : vector<16x512xi1>, vector<16x512xf32>
        %get3A_127 = arith.constant 2 : index
        %get3A_128 = arith.constant 0 : index
        %get3A_129 = arith.constant 1024 : index
        %get3A_130 = vector.load %arg0[%get3A_127, %get3A_128, %get3A_129] : memref<3x16x4096xf32, #tpu.memory_space<vmem>>, vector<1x16x512xf32>
        %get3A_131 = vector.shape_cast %get3A_130 : vector<1x16x512xf32> to vector<16x512xf32>
        %jit3A_132 = arith.constant 0.000000e+00 : f32
        %broadcast_in_dim3A_133 = vector.broadcast %jit3A_132 : f32 to vector<16x512xf32>
        %select_n3A_134 = arith.select %eq3A_110, %get3A_131, %broadcast_in_dim3A_133 : vector<16x512xi1>, vector<16x512xf32>
        %add3A_135 = arith.addf %add3A, %select_n3A_118 : vector<16x512xf32>
        %add3A_136 = arith.addf %add3A_104, %select_n3A_126 : vector<16x512xf32>
        %add3A_137 = arith.addf %add3A_105, %select_n3A_134 : vector<16x512xf32>
        %sub3A_138 = arith.constant 1536 : i32
        %sub3A_139 = vector.broadcast %sub3A_138 : i32 to vector<16x1xi32>
        %sub3A_140 = arith.subi %scan3A_46, %sub3A_139 : vector<16x1xi32>
        %eq3A_141 = vector.broadcast %sub3A_140 : vector<16x1xi32> to vector<16x512xi32>
        %eq3A_142 = arith.cmpi eq, %iota3A_3, %eq3A_141 : vector<16x512xi32>
        %get3A_143 = arith.constant 0 : index
        %get3A_144 = arith.constant 0 : index
        %get3A_145 = arith.constant 1536 : index
        %get3A_146 = vector.load %arg0[%get3A_143, %get3A_144, %get3A_145] : memref<3x16x4096xf32, #tpu.memory_space<vmem>>, vector<1x16x512xf32>
        %get3A_147 = vector.shape_cast %get3A_146 : vector<1x16x512xf32> to vector<16x512xf32>
        %jit3A_148 = arith.constant 0.000000e+00 : f32
        %broadcast_in_dim3A_149 = vector.broadcast %jit3A_148 : f32 to vector<16x512xf32>
        %select_n3A_150 = arith.select %eq3A_142, %get3A_147, %broadcast_in_dim3A_149 : vector<16x512xi1>, vector<16x512xf32>
        %get3A_151 = arith.constant 1 : index
        %get3A_152 = arith.constant 0 : index
        %get3A_153 = arith.constant 1536 : index
        %get3A_154 = vector.load %arg0[%get3A_151, %get3A_152, %get3A_153] : memref<3x16x4096xf32, #tpu.memory_space<vmem>>, vector<1x16x512xf32>
        %get3A_155 = vector.shape_cast %get3A_154 : vector<1x16x512xf32> to vector<16x512xf32>
        %jit3A_156 = arith.constant 0.000000e+00 : f32
        %broadcast_in_dim3A_157 = vector.broadcast %jit3A_156 : f32 to vector<16x512xf32>
        %select_n3A_158 = arith.select %eq3A_142, %get3A_155, %broadcast_in_dim3A_157 : vector<16x512xi1>, vector<16x512xf32>
        %get3A_159 = arith.constant 2 : index
        %get3A_160 = arith.constant 0 : index
        %get3A_161 = arith.constant 1536 : index
        %get3A_162 = vector.load %arg0[%get3A_159, %get3A_160, %get3A_161] : memref<3x16x4096xf32, #tpu.memory_space<vmem>>, vector<1x16x512xf32>
        %get3A_163 = vector.shape_cast %get3A_162 : vector<1x16x512xf32> to vector<16x512xf32>
        %jit3A_164 = arith.constant 0.000000e+00 : f32
        %broadcast_in_dim3A_165 = vector.broadcast %jit3A_164 : f32 to vector<16x512xf32>
        %select_n3A_166 = arith.select %eq3A_142, %get3A_163, %broadcast_in_dim3A_165 : vector<16x512xi1>, vector<16x512xf32>
        %add3A_167 = arith.addf %add3A_135, %select_n3A_150 : vector<16x512xf32>
        %add3A_168 = arith.addf %add3A_136, %select_n3A_158 : vector<16x512xf32>
        %add3A_169 = arith.addf %add3A_137, %select_n3A_166 : vector<16x512xf32>
        %sub3A_170 = arith.constant 2048 : i32
        %sub3A_171 = vector.broadcast %sub3A_170 : i32 to vector<16x1xi32>
        %sub3A_172 = arith.subi %scan3A_46, %sub3A_171 : vector<16x1xi32>
        %eq3A_173 = vector.broadcast %sub3A_172 : vector<16x1xi32> to vector<16x512xi32>
        %eq3A_174 = arith.cmpi eq, %iota3A_3, %eq3A_173 : vector<16x512xi32>
        %get3A_175 = arith.constant 0 : index
        %get3A_176 = arith.constant 0 : index
        %get3A_177 = arith.constant 2048 : index
        %get3A_178 = vector.load %arg0[%get3A_175, %get3A_176, %get3A_177] : memref<3x16x4096xf32, #tpu.memory_space<vmem>>, vector<1x16x512xf32>
        %get3A_179 = vector.shape_cast %get3A_178 : vector<1x16x512xf32> to vector<16x512xf32>
        %jit3A_180 = arith.constant 0.000000e+00 : f32
        %broadcast_in_dim3A_181 = vector.broadcast %jit3A_180 : f32 to vector<16x512xf32>
        %select_n3A_182 = arith.select %eq3A_174, %get3A_179, %broadcast_in_dim3A_181 : vector<16x512xi1>, vector<16x512xf32>
        %get3A_183 = arith.constant 1 : index
        %get3A_184 = arith.constant 0 : index
        %get3A_185 = arith.constant 2048 : index
        %get3A_186 = vector.load %arg0[%get3A_183, %get3A_184, %get3A_185] : memref<3x16x4096xf32, #tpu.memory_space<vmem>>, vector<1x16x512xf32>
        %get3A_187 = vector.shape_cast %get3A_186 : vector<1x16x512xf32> to vector<16x512xf32>
        %jit3A_188 = arith.constant 0.000000e+00 : f32
        %broadcast_in_dim3A_189 = vector.broadcast %jit3A_188 : f32 to vector<16x512xf32>
        %select_n3A_190 = arith.select %eq3A_174, %get3A_187, %broadcast_in_dim3A_189 : vector<16x512xi1>, vector<16x512xf32>
        %get3A_191 = arith.constant 2 : index
        %get3A_192 = arith.constant 0 : index
        %get3A_193 = arith.constant 2048 : index
        %get3A_194 = vector.load %arg0[%get3A_191, %get3A_192, %get3A_193] : memref<3x16x4096xf32, #tpu.memory_space<vmem>>, vector<1x16x512xf32>
        %get3A_195 = vector.shape_cast %get3A_194 : vector<1x16x512xf32> to vector<16x512xf32>
        %jit3A_196 = arith.constant 0.000000e+00 : f32
        %broadcast_in_dim3A_197 = vector.broadcast %jit3A_196 : f32 to vector<16x512xf32>
        %select_n3A_198 = arith.select %eq3A_174, %get3A_195, %broadcast_in_dim3A_197 : vector<16x512xi1>, vector<16x512xf32>
        %add3A_199 = arith.addf %add3A_167, %select_n3A_182 : vector<16x512xf32>
        %add3A_200 = arith.addf %add3A_168, %select_n3A_190 : vector<16x512xf32>
        %add3A_201 = arith.addf %add3A_169, %select_n3A_198 : vector<16x512xf32>
        %sub3A_202 = arith.constant 2560 : i32
        %sub3A_203 = vector.broadcast %sub3A_202 : i32 to vector<16x1xi32>
        %sub3A_204 = arith.subi %scan3A_46, %sub3A_203 : vector<16x1xi32>
        %eq3A_205 = vector.broadcast %sub3A_204 : vector<16x1xi32> to vector<16x512xi32>
        %eq3A_206 = arith.cmpi eq, %iota3A_3, %eq3A_205 : vector<16x512xi32>
        %get3A_207 = arith.constant 0 : index
        %get3A_208 = arith.constant 0 : index
        %get3A_209 = arith.constant 2560 : index
        %get3A_210 = vector.load %arg0[%get3A_207, %get3A_208, %get3A_209] : memref<3x16x4096xf32, #tpu.memory_space<vmem>>, vector<1x16x512xf32>
        %get3A_211 = vector.shape_cast %get3A_210 : vector<1x16x512xf32> to vector<16x512xf32>
        %jit3A_212 = arith.constant 0.000000e+00 : f32
        %broadcast_in_dim3A_213 = vector.broadcast %jit3A_212 : f32 to vector<16x512xf32>
        %select_n3A_214 = arith.select %eq3A_206, %get3A_211, %broadcast_in_dim3A_213 : vector<16x512xi1>, vector<16x512xf32>
        %get3A_215 = arith.constant 1 : index
        %get3A_216 = arith.constant 0 : index
        %get3A_217 = arith.constant 2560 : index
        %get3A_218 = vector.load %arg0[%get3A_215, %get3A_216, %get3A_217] : memref<3x16x4096xf32, #tpu.memory_space<vmem>>, vector<1x16x512xf32>
        %get3A_219 = vector.shape_cast %get3A_218 : vector<1x16x512xf32> to vector<16x512xf32>
        %jit3A_220 = arith.constant 0.000000e+00 : f32
        %broadcast_in_dim3A_221 = vector.broadcast %jit3A_220 : f32 to vector<16x512xf32>
        %select_n3A_222 = arith.select %eq3A_206, %get3A_219, %broadcast_in_dim3A_221 : vector<16x512xi1>, vector<16x512xf32>
        %get3A_223 = arith.constant 2 : index
        %get3A_224 = arith.constant 0 : index
        %get3A_225 = arith.constant 2560 : index
        %get3A_226 = vector.load %arg0[%get3A_223, %get3A_224, %get3A_225] : memref<3x16x4096xf32, #tpu.memory_space<vmem>>, vector<1x16x512xf32>
        %get3A_227 = vector.shape_cast %get3A_226 : vector<1x16x512xf32> to vector<16x512xf32>
        %jit3A_228 = arith.constant 0.000000e+00 : f32
        %broadcast_in_dim3A_229 = vector.broadcast %jit3A_228 : f32 to vector<16x512xf32>
        %select_n3A_230 = arith.select %eq3A_206, %get3A_227, %broadcast_in_dim3A_229 : vector<16x512xi1>, vector<16x512xf32>
        %add3A_231 = arith.addf %add3A_199, %select_n3A_214 : vector<16x512xf32>
        %add3A_232 = arith.addf %add3A_200, %select_n3A_222 : vector<16x512xf32>
        %add3A_233 = arith.addf %add3A_201, %select_n3A_230 : vector<16x512xf32>
        %sub3A_234 = arith.constant 3072 : i32
        %sub3A_235 = vector.broadcast %sub3A_234 : i32 to vector<16x1xi32>
        %sub3A_236 = arith.subi %scan3A_46, %sub3A_235 : vector<16x1xi32>
        %eq3A_237 = vector.broadcast %sub3A_236 : vector<16x1xi32> to vector<16x512xi32>
        %eq3A_238 = arith.cmpi eq, %iota3A_3, %eq3A_237 : vector<16x512xi32>
        %get3A_239 = arith.constant 0 : index
        %get3A_240 = arith.constant 0 : index
        %get3A_241 = arith.constant 3072 : index
        %get3A_242 = vector.load %arg0[%get3A_239, %get3A_240, %get3A_241] : memref<3x16x4096xf32, #tpu.memory_space<vmem>>, vector<1x16x512xf32>
        %get3A_243 = vector.shape_cast %get3A_242 : vector<1x16x512xf32> to vector<16x512xf32>
        %jit3A_244 = arith.constant 0.000000e+00 : f32
        %broadcast_in_dim3A_245 = vector.broadcast %jit3A_244 : f32 to vector<16x512xf32>
        %select_n3A_246 = arith.select %eq3A_238, %get3A_243, %broadcast_in_dim3A_245 : vector<16x512xi1>, vector<16x512xf32>
        %get3A_247 = arith.constant 1 : index
        %get3A_248 = arith.constant 0 : index
        %get3A_249 = arith.constant 3072 : index
        %get3A_250 = vector.load %arg0[%get3A_247, %get3A_248, %get3A_249] : memref<3x16x4096xf32, #tpu.memory_space<vmem>>, vector<1x16x512xf32>
        %get3A_251 = vector.shape_cast %get3A_250 : vector<1x16x512xf32> to vector<16x512xf32>
        %jit3A_252 = arith.constant 0.000000e+00 : f32
        %broadcast_in_dim3A_253 = vector.broadcast %jit3A_252 : f32 to vector<16x512xf32>
        %select_n3A_254 = arith.select %eq3A_238, %get3A_251, %broadcast_in_dim3A_253 : vector<16x512xi1>, vector<16x512xf32>
        %get3A_255 = arith.constant 2 : index
        %get3A_256 = arith.constant 0 : index
        %get3A_257 = arith.constant 3072 : index
        %get3A_258 = vector.load %arg0[%get3A_255, %get3A_256, %get3A_257] : memref<3x16x4096xf32, #tpu.memory_space<vmem>>, vector<1x16x512xf32>
        %get3A_259 = vector.shape_cast %get3A_258 : vector<1x16x512xf32> to vector<16x512xf32>
        %jit3A_260 = arith.constant 0.000000e+00 : f32
        %broadcast_in_dim3A_261 = vector.broadcast %jit3A_260 : f32 to vector<16x512xf32>
        %select_n3A_262 = arith.select %eq3A_238, %get3A_259, %broadcast_in_dim3A_261 : vector<16x512xi1>, vector<16x512xf32>
        %add3A_263 = arith.addf %add3A_231, %select_n3A_246 : vector<16x512xf32>
        %add3A_264 = arith.addf %add3A_232, %select_n3A_254 : vector<16x512xf32>
        %add3A_265 = arith.addf %add3A_233, %select_n3A_262 : vector<16x512xf32>
        %sub3A_266 = arith.constant 3584 : i32
        %sub3A_267 = vector.broadcast %sub3A_266 : i32 to vector<16x1xi32>
        %sub3A_268 = arith.subi %scan3A_46, %sub3A_267 : vector<16x1xi32>
        %eq3A_269 = vector.broadcast %sub3A_268 : vector<16x1xi32> to vector<16x512xi32>
        %eq3A_270 = arith.cmpi eq, %iota3A_3, %eq3A_269 : vector<16x512xi32>
        %get3A_271 = arith.constant 0 : index
        %get3A_272 = arith.constant 0 : index
        %get3A_273 = arith.constant 3584 : index
        %get3A_274 = vector.load %arg0[%get3A_271, %get3A_272, %get3A_273] : memref<3x16x4096xf32, #tpu.memory_space<vmem>>, vector<1x16x512xf32>
        %get3A_275 = vector.shape_cast %get3A_274 : vector<1x16x512xf32> to vector<16x512xf32>
        %jit3A_276 = arith.constant 0.000000e+00 : f32
        %broadcast_in_dim3A_277 = vector.broadcast %jit3A_276 : f32 to vector<16x512xf32>
        %select_n3A_278 = arith.select %eq3A_270, %get3A_275, %broadcast_in_dim3A_277 : vector<16x512xi1>, vector<16x512xf32>
        %get3A_279 = arith.constant 1 : index
        %get3A_280 = arith.constant 0 : index
        %get3A_281 = arith.constant 3584 : index
        %get3A_282 = vector.load %arg0[%get3A_279, %get3A_280, %get3A_281] : memref<3x16x4096xf32, #tpu.memory_space<vmem>>, vector<1x16x512xf32>
        %get3A_283 = vector.shape_cast %get3A_282 : vector<1x16x512xf32> to vector<16x512xf32>
        %jit3A_284 = arith.constant 0.000000e+00 : f32
        %broadcast_in_dim3A_285 = vector.broadcast %jit3A_284 : f32 to vector<16x512xf32>
        %select_n3A_286 = arith.select %eq3A_270, %get3A_283, %broadcast_in_dim3A_285 : vector<16x512xi1>, vector<16x512xf32>
        %get3A_287 = arith.constant 2 : index
        %get3A_288 = arith.constant 0 : index
        %get3A_289 = arith.constant 3584 : index
        %get3A_290 = vector.load %arg0[%get3A_287, %get3A_288, %get3A_289] : memref<3x16x4096xf32, #tpu.memory_space<vmem>>, vector<1x16x512xf32>
        %get3A_291 = vector.shape_cast %get3A_290 : vector<1x16x512xf32> to vector<16x512xf32>
        %jit3A_292 = arith.constant 0.000000e+00 : f32
        %broadcast_in_dim3A_293 = vector.broadcast %jit3A_292 : f32 to vector<16x512xf32>
        %select_n3A_294 = arith.select %eq3A_270, %get3A_291, %broadcast_in_dim3A_293 : vector<16x512xi1>, vector<16x512xf32>
        %add3A_295 = arith.addf %add3A_263, %select_n3A_278 : vector<16x512xf32>
        %add3A_296 = arith.addf %add3A_264, %select_n3A_286 : vector<16x512xf32>
        %add3A_297 = arith.addf %add3A_265, %select_n3A_294 : vector<16x512xf32>
        %reduce_sum3A = arith.constant dense<0.000000e+00> : vector<16xf32>
        %reduce_sum3A_298 = vector.multi_reduction <add>, %add3A_295, %reduce_sum3A [1] : vector<16x512xf32> to vector<16xf32>
        %broadcast_in_dim3A_299 = vector.shape_cast %reduce_sum3A_298 : vector<16xf32> to vector<16x1xf32>
        %reduce_sum3A_300 = arith.constant dense<0.000000e+00> : vector<16xf32>
        %reduce_sum3A_301 = vector.multi_reduction <add>, %add3A_296, %reduce_sum3A_300 [1] : vector<16x512xf32> to vector<16xf32>
        %broadcast_in_dim3A_302 = vector.shape_cast %reduce_sum3A_301 : vector<16xf32> to vector<16x1xf32>
        %reduce_sum3A_303 = arith.constant dense<0.000000e+00> : vector<16xf32>
        %reduce_sum3A_304 = vector.multi_reduction <add>, %add3A_297, %reduce_sum3A_303 [1] : vector<16x512xf32> to vector<16xf32>
        %broadcast_in_dim3A_305 = vector.shape_cast %reduce_sum3A_304 : vector<16xf32> to vector<16x1xf32>
        %eq3A_306 = vector.broadcast %scan3A_45 : i32 to vector<16x128xi32>
        %eq3A_307 = arith.cmpi eq, %iota3A, %eq3A_306 : vector<16x128xi32>
        %broadcast_in_dim3A_308 = vector.shape_cast %scan3A_46 : vector<16x1xi32> to vector<16x1xi32>
        %broadcast_in_dim3A_309 = vector.broadcast %broadcast_in_dim3A_308 : vector<16x1xi32> to vector<16x128xi32>
        %select_n3A_310 = arith.select %eq3A_307, %broadcast_in_dim3A_309, %scan3A_47 : vector<16x128xi1>, vector<16x128xi32>
        %broadcast_in_dim3A_311 = vector.shape_cast %broadcast_in_dim3A_299 : vector<16x1xf32> to vector<16x1xf32>
        %broadcast_in_dim3A_312 = vector.broadcast %broadcast_in_dim3A_311 : vector<16x1xf32> to vector<16x128xf32>
        %select_n3A_313 = arith.select %eq3A_307, %broadcast_in_dim3A_312, %scan3A_48 : vector<16x128xi1>, vector<16x128xf32>
        %broadcast_in_dim3A_314 = vector.shape_cast %broadcast_in_dim3A_302 : vector<16x1xf32> to vector<16x1xf32>
        %broadcast_in_dim3A_315 = vector.broadcast %broadcast_in_dim3A_314 : vector<16x1xf32> to vector<16x128xf32>
        %select_n3A_316 = arith.select %eq3A_307, %broadcast_in_dim3A_315, %scan3A_49 : vector<16x128xi1>, vector<16x128xf32>
        %broadcast_in_dim3A_317 = vector.shape_cast %broadcast_in_dim3A_305 : vector<16x1xf32> to vector<16x1xf32>
        %broadcast_in_dim3A_318 = vector.broadcast %broadcast_in_dim3A_317 : vector<16x1xf32> to vector<16x128xf32>
        %select_n3A_319 = arith.select %eq3A_307, %broadcast_in_dim3A_318, %scan3A_50 : vector<16x128xi1>, vector<16x128xf32>
        %get3A_320 = arith.constant 0 : index
        %get3A_321 = arith.constant 0 : index
        %get3A_322 = arith.constant 0 : index
        %get3A_323 = vector.load %arg0[%get3A_320, %get3A_321, %get3A_322] : memref<3x16x4096xf32, #tpu.memory_space<vmem>>, vector<1x16x512xf32>
        %get3A_324 = vector.shape_cast %get3A_323 : vector<1x16x512xf32> to vector<16x512xf32>
        %sub3A_325 = vector.broadcast %broadcast_in_dim3A_299 : vector<16x1xf32> to vector<16x512xf32>
        %sub3A_326 = arith.subf %get3A_324, %sub3A_325 : vector<16x512xf32>
        %get3A_327 = arith.constant 1 : index
        %get3A_328 = arith.constant 0 : index
        %get3A_329 = arith.constant 0 : index
        %get3A_330 = vector.load %arg0[%get3A_327, %get3A_328, %get3A_329] : memref<3x16x4096xf32, #tpu.memory_space<vmem>>, vector<1x16x512xf32>
        %get3A_331 = vector.shape_cast %get3A_330 : vector<1x16x512xf32> to vector<16x512xf32>
        %sub3A_332 = vector.broadcast %broadcast_in_dim3A_302 : vector<16x1xf32> to vector<16x512xf32>
        %sub3A_333 = arith.subf %get3A_331, %sub3A_332 : vector<16x512xf32>
        %get3A_334 = arith.constant 2 : index
        %get3A_335 = arith.constant 0 : index
        %get3A_336 = arith.constant 0 : index
        %get3A_337 = vector.load %arg0[%get3A_334, %get3A_335, %get3A_336] : memref<3x16x4096xf32, #tpu.memory_space<vmem>>, vector<1x16x512xf32>
        %get3A_338 = vector.shape_cast %get3A_337 : vector<1x16x512xf32> to vector<16x512xf32>
        %sub3A_339 = vector.broadcast %broadcast_in_dim3A_305 : vector<16x1xf32> to vector<16x512xf32>
        %sub3A_340 = arith.subf %get3A_338, %sub3A_339 : vector<16x512xf32>
        %mul3A_341 = arith.mulf %sub3A_326, %sub3A_326 : vector<16x512xf32>
        %mul3A_342 = arith.mulf %sub3A_340, %sub3A_340 : vector<16x512xf32>
        %add3A_343 = arith.addf %mul3A_341, %mul3A_342 : vector<16x512xf32>
        %mul3A_344 = arith.mulf %sub3A_333, %sub3A_333 : vector<16x512xf32>
        %add3A_345 = arith.addf %add3A_343, %mul3A_344 : vector<16x512xf32>
        %get3A_346 = arith.constant 0 : index
        %get3A_347 = arith.constant 0 : index
        %get3A_348 = vector.load %arg3[%get3A_346, %get3A_347] : memref<16x4096xf32, #tpu.memory_space<vmem>>, vector<16x512xf32>
        %min3A = arith.minimumf %get3A_348, %add3A_345 : vector<16x512xf32>
        %swap3A_349 = arith.constant 0 : index
        %swap3A_350 = arith.constant 0 : index
        %swap3A_351 = vector.load %arg3[%swap3A_349, %swap3A_350] : memref<16x4096xf32, #tpu.memory_space<vmem>>, vector<16x512xf32>
        tpu.vector_store %arg3[%swap3A_349, %swap3A_350], %min3A {strides = array<i32>} : memref<16x4096xf32, #tpu.memory_space<vmem>>, vector<16x512xf32>,
        %get3A_352 = arith.constant 0 : index
        %get3A_353 = arith.constant 0 : index
        %get3A_354 = arith.constant 512 : index
        %get3A_355 = vector.load %arg0[%get3A_352, %get3A_353, %get3A_354] : memref<3x16x4096xf32, #tpu.memory_space<vmem>>, vector<1x16x512xf32>
        %get3A_356 = vector.shape_cast %get3A_355 : vector<1x16x512xf32> to vector<16x512xf32>
        %sub3A_357 = vector.broadcast %broadcast_in_dim3A_299 : vector<16x1xf32> to vector<16x512xf32>
        %sub3A_358 = arith.subf %get3A_356, %sub3A_357 : vector<16x512xf32>
        %get3A_359 = arith.constant 1 : index
        %get3A_360 = arith.constant 0 : index
        %get3A_361 = arith.constant 512 : index
        %get3A_362 = vector.load %arg0[%get3A_359, %get3A_360, %get3A_361] : memref<3x16x4096xf32, #tpu.memory_space<vmem>>, vector<1x16x512xf32>
        %get3A_363 = vector.shape_cast %get3A_362 : vector<1x16x512xf32> to vector<16x512xf32>
        %sub3A_364 = vector.broadcast %broadcast_in_dim3A_302 : vector<16x1xf32> to vector<16x512xf32>
        %sub3A_365 = arith.subf %get3A_363, %sub3A_364 : vector<16x512xf32>
        %get3A_366 = arith.constant 2 : index
        %get3A_367 = arith.constant 0 : index
        %get3A_368 = arith.constant 512 : index
        %get3A_369 = vector.load %arg0[%get3A_366, %get3A_367, %get3A_368] : memref<3x16x4096xf32, #tpu.memory_space<vmem>>, vector<1x16x512xf32>
        %get3A_370 = vector.shape_cast %get3A_369 : vector<1x16x512xf32> to vector<16x512xf32>
        %sub3A_371 = vector.broadcast %broadcast_in_dim3A_305 : vector<16x1xf32> to vector<16x512xf32>
        %sub3A_372 = arith.subf %get3A_370, %sub3A_371 : vector<16x512xf32>
        %mul3A_373 = arith.mulf %sub3A_358, %sub3A_358 : vector<16x512xf32>
        %mul3A_374 = arith.mulf %sub3A_372, %sub3A_372 : vector<16x512xf32>
        %add3A_375 = arith.addf %mul3A_373, %mul3A_374 : vector<16x512xf32>
        %mul3A_376 = arith.mulf %sub3A_365, %sub3A_365 : vector<16x512xf32>
        %add3A_377 = arith.addf %add3A_375, %mul3A_376 : vector<16x512xf32>
        %get3A_378 = arith.constant 0 : index
        %get3A_379 = arith.constant 512 : index
        %get3A_380 = vector.load %arg3[%get3A_378, %get3A_379] : memref<16x4096xf32, #tpu.memory_space<vmem>>, vector<16x512xf32>
        %min3A_381 = arith.minimumf %get3A_380, %add3A_377 : vector<16x512xf32>
        %swap3A_382 = arith.constant 0 : index
        %swap3A_383 = arith.constant 512 : index
        %swap3A_384 = vector.load %arg3[%swap3A_382, %swap3A_383] : memref<16x4096xf32, #tpu.memory_space<vmem>>, vector<16x512xf32>
        tpu.vector_store %arg3[%swap3A_382, %swap3A_383], %min3A_381 {strides = array<i32>} : memref<16x4096xf32, #tpu.memory_space<vmem>>, vector<16x512xf32>,
        %max3A = arith.maximumf %min3A, %min3A_381 : vector<16x512xf32>
        %get3A_385 = arith.constant 0 : index
        %get3A_386 = arith.constant 0 : index
        %get3A_387 = arith.constant 1024 : index
        %get3A_388 = vector.load %arg0[%get3A_385, %get3A_386, %get3A_387] : memref<3x16x4096xf32, #tpu.memory_space<vmem>>, vector<1x16x512xf32>
        %get3A_389 = vector.shape_cast %get3A_388 : vector<1x16x512xf32> to vector<16x512xf32>
        %sub3A_390 = vector.broadcast %broadcast_in_dim3A_299 : vector<16x1xf32> to vector<16x512xf32>
        %sub3A_391 = arith.subf %get3A_389, %sub3A_390 : vector<16x512xf32>
        %get3A_392 = arith.constant 1 : index
        %get3A_393 = arith.constant 0 : index
        %get3A_394 = arith.constant 1024 : index
        %get3A_395 = vector.load %arg0[%get3A_392, %get3A_393, %get3A_394] : memref<3x16x4096xf32, #tpu.memory_space<vmem>>, vector<1x16x512xf32>
        %get3A_396 = vector.shape_cast %get3A_395 : vector<1x16x512xf32> to vector<16x512xf32>
        %sub3A_397 = vector.broadcast %broadcast_in_dim3A_302 : vector<16x1xf32> to vector<16x512xf32>
        %sub3A_398 = arith.subf %get3A_396, %sub3A_397 : vector<16x512xf32>
        %get3A_399 = arith.constant 2 : index
        %get3A_400 = arith.constant 0 : index
        %get3A_401 = arith.constant 1024 : index
        %get3A_402 = vector.load %arg0[%get3A_399, %get3A_400, %get3A_401] : memref<3x16x4096xf32, #tpu.memory_space<vmem>>, vector<1x16x512xf32>
        %get3A_403 = vector.shape_cast %get3A_402 : vector<1x16x512xf32> to vector<16x512xf32>
        %sub3A_404 = vector.broadcast %broadcast_in_dim3A_305 : vector<16x1xf32> to vector<16x512xf32>
        %sub3A_405 = arith.subf %get3A_403, %sub3A_404 : vector<16x512xf32>
        %mul3A_406 = arith.mulf %sub3A_391, %sub3A_391 : vector<16x512xf32>
        %mul3A_407 = arith.mulf %sub3A_405, %sub3A_405 : vector<16x512xf32>
        %add3A_408 = arith.addf %mul3A_406, %mul3A_407 : vector<16x512xf32>
        %mul3A_409 = arith.mulf %sub3A_398, %sub3A_398 : vector<16x512xf32>
        %add3A_410 = arith.addf %add3A_408, %mul3A_409 : vector<16x512xf32>
        %get3A_411 = arith.constant 0 : index
        %get3A_412 = arith.constant 1024 : index
        %get3A_413 = vector.load %arg3[%get3A_411, %get3A_412] : memref<16x4096xf32, #tpu.memory_space<vmem>>, vector<16x512xf32>
        %min3A_414 = arith.minimumf %get3A_413, %add3A_410 : vector<16x512xf32>
        %swap3A_415 = arith.constant 0 : index
        %swap3A_416 = arith.constant 1024 : index
        %swap3A_417 = vector.load %arg3[%swap3A_415, %swap3A_416] : memref<16x4096xf32, #tpu.memory_space<vmem>>, vector<16x512xf32>
        tpu.vector_store %arg3[%swap3A_415, %swap3A_416], %min3A_414 {strides = array<i32>} : memref<16x4096xf32, #tpu.memory_space<vmem>>, vector<16x512xf32>,
        %max3A_418 = arith.maximumf %max3A, %min3A_414 : vector<16x512xf32>
        %get3A_419 = arith.constant 0 : index
        %get3A_420 = arith.constant 0 : index
        %get3A_421 = arith.constant 1536 : index
        %get3A_422 = vector.load %arg0[%get3A_419, %get3A_420, %get3A_421] : memref<3x16x4096xf32, #tpu.memory_space<vmem>>, vector<1x16x512xf32>
        %get3A_423 = vector.shape_cast %get3A_422 : vector<1x16x512xf32> to vector<16x512xf32>
        %sub3A_424 = vector.broadcast %broadcast_in_dim3A_299 : vector<16x1xf32> to vector<16x512xf32>
        %sub3A_425 = arith.subf %get3A_423, %sub3A_424 : vector<16x512xf32>
        %get3A_426 = arith.constant 1 : index
        %get3A_427 = arith.constant 0 : index
        %get3A_428 = arith.constant 1536 : index
        %get3A_429 = vector.load %arg0[%get3A_426, %get3A_427, %get3A_428] : memref<3x16x4096xf32, #tpu.memory_space<vmem>>, vector<1x16x512xf32>
        %get3A_430 = vector.shape_cast %get3A_429 : vector<1x16x512xf32> to vector<16x512xf32>
        %sub3A_431 = vector.broadcast %broadcast_in_dim3A_302 : vector<16x1xf32> to vector<16x512xf32>
        %sub3A_432 = arith.subf %get3A_430, %sub3A_431 : vector<16x512xf32>
        %get3A_433 = arith.constant 2 : index
        %get3A_434 = arith.constant 0 : index
        %get3A_435 = arith.constant 1536 : index
        %get3A_436 = vector.load %arg0[%get3A_433, %get3A_434, %get3A_435] : memref<3x16x4096xf32, #tpu.memory_space<vmem>>, vector<1x16x512xf32>
        %get3A_437 = vector.shape_cast %get3A_436 : vector<1x16x512xf32> to vector<16x512xf32>
        %sub3A_438 = vector.broadcast %broadcast_in_dim3A_305 : vector<16x1xf32> to vector<16x512xf32>
        %sub3A_439 = arith.subf %get3A_437, %sub3A_438 : vector<16x512xf32>
        %mul3A_440 = arith.mulf %sub3A_425, %sub3A_425 : vector<16x512xf32>
        %mul3A_441 = arith.mulf %sub3A_439, %sub3A_439 : vector<16x512xf32>
        %add3A_442 = arith.addf %mul3A_440, %mul3A_441 : vector<16x512xf32>
        %mul3A_443 = arith.mulf %sub3A_432, %sub3A_432 : vector<16x512xf32>
        %add3A_444 = arith.addf %add3A_442, %mul3A_443 : vector<16x512xf32>
        %get3A_445 = arith.constant 0 : index
        %get3A_446 = arith.constant 1536 : index
        %get3A_447 = vector.load %arg3[%get3A_445, %get3A_446] : memref<16x4096xf32, #tpu.memory_space<vmem>>, vector<16x512xf32>
        %min3A_448 = arith.minimumf %get3A_447, %add3A_444 : vector<16x512xf32>
        %swap3A_449 = arith.constant 0 : index
        %swap3A_450 = arith.constant 1536 : index
        %swap3A_451 = vector.load %arg3[%swap3A_449, %swap3A_450] : memref<16x4096xf32, #tpu.memory_space<vmem>>, vector<16x512xf32>
        tpu.vector_store %arg3[%swap3A_449, %swap3A_450], %min3A_448 {strides = array<i32>} : memref<16x4096xf32, #tpu.memory_space<vmem>>, vector<16x512xf32>,
        %max3A_452 = arith.maximumf %max3A_418, %min3A_448 : vector<16x512xf32>
        %get3A_453 = arith.constant 0 : index
        %get3A_454 = arith.constant 0 : index
        %get3A_455 = arith.constant 2048 : index
        %get3A_456 = vector.load %arg0[%get3A_453, %get3A_454, %get3A_455] : memref<3x16x4096xf32, #tpu.memory_space<vmem>>, vector<1x16x512xf32>
        %get3A_457 = vector.shape_cast %get3A_456 : vector<1x16x512xf32> to vector<16x512xf32>
        %sub3A_458 = vector.broadcast %broadcast_in_dim3A_299 : vector<16x1xf32> to vector<16x512xf32>
        %sub3A_459 = arith.subf %get3A_457, %sub3A_458 : vector<16x512xf32>
        %get3A_460 = arith.constant 1 : index
        %get3A_461 = arith.constant 0 : index
        %get3A_462 = arith.constant 2048 : index
        %get3A_463 = vector.load %arg0[%get3A_460, %get3A_461, %get3A_462] : memref<3x16x4096xf32, #tpu.memory_space<vmem>>, vector<1x16x512xf32>
        %get3A_464 = vector.shape_cast %get3A_463 : vector<1x16x512xf32> to vector<16x512xf32>
        %sub3A_465 = vector.broadcast %broadcast_in_dim3A_302 : vector<16x1xf32> to vector<16x512xf32>
        %sub3A_466 = arith.subf %get3A_464, %sub3A_465 : vector<16x512xf32>
        %get3A_467 = arith.constant 2 : index
        %get3A_468 = arith.constant 0 : index
        %get3A_469 = arith.constant 2048 : index
        %get3A_470 = vector.load %arg0[%get3A_467, %get3A_468, %get3A_469] : memref<3x16x4096xf32, #tpu.memory_space<vmem>>, vector<1x16x512xf32>
        %get3A_471 = vector.shape_cast %get3A_470 : vector<1x16x512xf32> to vector<16x512xf32>
        %sub3A_472 = vector.broadcast %broadcast_in_dim3A_305 : vector<16x1xf32> to vector<16x512xf32>
        %sub3A_473 = arith.subf %get3A_471, %sub3A_472 : vector<16x512xf32>
        %mul3A_474 = arith.mulf %sub3A_459, %sub3A_459 : vector<16x512xf32>
        %mul3A_475 = arith.mulf %sub3A_473, %sub3A_473 : vector<16x512xf32>
        %add3A_476 = arith.addf %mul3A_474, %mul3A_475 : vector<16x512xf32>
        %mul3A_477 = arith.mulf %sub3A_466, %sub3A_466 : vector<16x512xf32>
        %add3A_478 = arith.addf %add3A_476, %mul3A_477 : vector<16x512xf32>
        %get3A_479 = arith.constant 0 : index
        %get3A_480 = arith.constant 2048 : index
        %get3A_481 = vector.load %arg3[%get3A_479, %get3A_480] : memref<16x4096xf32, #tpu.memory_space<vmem>>, vector<16x512xf32>
        %min3A_482 = arith.minimumf %get3A_481, %add3A_478 : vector<16x512xf32>
        %swap3A_483 = arith.constant 0 : index
        %swap3A_484 = arith.constant 2048 : index
        %swap3A_485 = vector.load %arg3[%swap3A_483, %swap3A_484] : memref<16x4096xf32, #tpu.memory_space<vmem>>, vector<16x512xf32>
        tpu.vector_store %arg3[%swap3A_483, %swap3A_484], %min3A_482 {strides = array<i32>} : memref<16x4096xf32, #tpu.memory_space<vmem>>, vector<16x512xf32>,
        %max3A_486 = arith.maximumf %max3A_452, %min3A_482 : vector<16x512xf32>
        %get3A_487 = arith.constant 0 : index
        %get3A_488 = arith.constant 0 : index
        %get3A_489 = arith.constant 2560 : index
        %get3A_490 = vector.load %arg0[%get3A_487, %get3A_488, %get3A_489] : memref<3x16x4096xf32, #tpu.memory_space<vmem>>, vector<1x16x512xf32>
        %get3A_491 = vector.shape_cast %get3A_490 : vector<1x16x512xf32> to vector<16x512xf32>
        %sub3A_492 = vector.broadcast %broadcast_in_dim3A_299 : vector<16x1xf32> to vector<16x512xf32>
        %sub3A_493 = arith.subf %get3A_491, %sub3A_492 : vector<16x512xf32>
        %get3A_494 = arith.constant 1 : index
        %get3A_495 = arith.constant 0 : index
        %get3A_496 = arith.constant 2560 : index
        %get3A_497 = vector.load %arg0[%get3A_494, %get3A_495, %get3A_496] : memref<3x16x4096xf32, #tpu.memory_space<vmem>>, vector<1x16x512xf32>
        %get3A_498 = vector.shape_cast %get3A_497 : vector<1x16x512xf32> to vector<16x512xf32>
        %sub3A_499 = vector.broadcast %broadcast_in_dim3A_302 : vector<16x1xf32> to vector<16x512xf32>
        %sub3A_500 = arith.subf %get3A_498, %sub3A_499 : vector<16x512xf32>
        %get3A_501 = arith.constant 2 : index
        %get3A_502 = arith.constant 0 : index
        %get3A_503 = arith.constant 2560 : index
        %get3A_504 = vector.load %arg0[%get3A_501, %get3A_502, %get3A_503] : memref<3x16x4096xf32, #tpu.memory_space<vmem>>, vector<1x16x512xf32>
        %get3A_505 = vector.shape_cast %get3A_504 : vector<1x16x512xf32> to vector<16x512xf32>
        %sub3A_506 = vector.broadcast %broadcast_in_dim3A_305 : vector<16x1xf32> to vector<16x512xf32>
        %sub3A_507 = arith.subf %get3A_505, %sub3A_506 : vector<16x512xf32>
        %mul3A_508 = arith.mulf %sub3A_493, %sub3A_493 : vector<16x512xf32>
        %mul3A_509 = arith.mulf %sub3A_507, %sub3A_507 : vector<16x512xf32>
        %add3A_510 = arith.addf %mul3A_508, %mul3A_509 : vector<16x512xf32>
        %mul3A_511 = arith.mulf %sub3A_500, %sub3A_500 : vector<16x512xf32>
        %add3A_512 = arith.addf %add3A_510, %mul3A_511 : vector<16x512xf32>
        %get3A_513 = arith.constant 0 : index
        %get3A_514 = arith.constant 2560 : index
        %get3A_515 = vector.load %arg3[%get3A_513, %get3A_514] : memref<16x4096xf32, #tpu.memory_space<vmem>>, vector<16x512xf32>
        %min3A_516 = arith.minimumf %get3A_515, %add3A_512 : vector<16x512xf32>
        %swap3A_517 = arith.constant 0 : index
        %swap3A_518 = arith.constant 2560 : index
        %swap3A_519 = vector.load %arg3[%swap3A_517, %swap3A_518] : memref<16x4096xf32, #tpu.memory_space<vmem>>, vector<16x512xf32>
        tpu.vector_store %arg3[%swap3A_517, %swap3A_518], %min3A_516 {strides = array<i32>} : memref<16x4096xf32, #tpu.memory_space<vmem>>, vector<16x512xf32>,
        %max3A_520 = arith.maximumf %max3A_486, %min3A_516 : vector<16x512xf32>
        %get3A_521 = arith.constant 0 : index
        %get3A_522 = arith.constant 0 : index
        %get3A_523 = arith.constant 3072 : index
        %get3A_524 = vector.load %arg0[%get3A_521, %get3A_522, %get3A_523] : memref<3x16x4096xf32, #tpu.memory_space<vmem>>, vector<1x16x512xf32>
        %get3A_525 = vector.shape_cast %get3A_524 : vector<1x16x512xf32> to vector<16x512xf32>
        %sub3A_526 = vector.broadcast %broadcast_in_dim3A_299 : vector<16x1xf32> to vector<16x512xf32>
        %sub3A_527 = arith.subf %get3A_525, %sub3A_526 : vector<16x512xf32>
        %get3A_528 = arith.constant 1 : index
        %get3A_529 = arith.constant 0 : index
        %get3A_530 = arith.constant 3072 : index
        %get3A_531 = vector.load %arg0[%get3A_528, %get3A_529, %get3A_530] : memref<3x16x4096xf32, #tpu.memory_space<vmem>>, vector<1x16x512xf32>
        %get3A_532 = vector.shape_cast %get3A_531 : vector<1x16x512xf32> to vector<16x512xf32>
        %sub3A_533 = vector.broadcast %broadcast_in_dim3A_302 : vector<16x1xf32> to vector<16x512xf32>
        %sub3A_534 = arith.subf %get3A_532, %sub3A_533 : vector<16x512xf32>
        %get3A_535 = arith.constant 2 : index
        %get3A_536 = arith.constant 0 : index
        %get3A_537 = arith.constant 3072 : index
        %get3A_538 = vector.load %arg0[%get3A_535, %get3A_536, %get3A_537] : memref<3x16x4096xf32, #tpu.memory_space<vmem>>, vector<1x16x512xf32>
        %get3A_539 = vector.shape_cast %get3A_538 : vector<1x16x512xf32> to vector<16x512xf32>
        %sub3A_540 = vector.broadcast %broadcast_in_dim3A_305 : vector<16x1xf32> to vector<16x512xf32>
        %sub3A_541 = arith.subf %get3A_539, %sub3A_540 : vector<16x512xf32>
        %mul3A_542 = arith.mulf %sub3A_527, %sub3A_527 : vector<16x512xf32>
        %mul3A_543 = arith.mulf %sub3A_541, %sub3A_541 : vector<16x512xf32>
        %add3A_544 = arith.addf %mul3A_542, %mul3A_543 : vector<16x512xf32>
        %mul3A_545 = arith.mulf %sub3A_534, %sub3A_534 : vector<16x512xf32>
        %add3A_546 = arith.addf %add3A_544, %mul3A_545 : vector<16x512xf32>
        %get3A_547 = arith.constant 0 : index
        %get3A_548 = arith.constant 3072 : index
        %get3A_549 = vector.load %arg3[%get3A_547, %get3A_548] : memref<16x4096xf32, #tpu.memory_space<vmem>>, vector<16x512xf32>
        %min3A_550 = arith.minimumf %get3A_549, %add3A_546 : vector<16x512xf32>
        %swap3A_551 = arith.constant 0 : index
        %swap3A_552 = arith.constant 3072 : index
        %swap3A_553 = vector.load %arg3[%swap3A_551, %swap3A_552] : memref<16x4096xf32, #tpu.memory_space<vmem>>, vector<16x512xf32>
        tpu.vector_store %arg3[%swap3A_551, %swap3A_552], %min3A_550 {strides = array<i32>} : memref<16x4096xf32, #tpu.memory_space<vmem>>, vector<16x512xf32>,
        %max3A_554 = arith.maximumf %max3A_520, %min3A_550 : vector<16x512xf32>
        %get3A_555 = arith.constant 0 : index
        %get3A_556 = arith.constant 0 : index
        %get3A_557 = arith.constant 3584 : index
        %get3A_558 = vector.load %arg0[%get3A_555, %get3A_556, %get3A_557] : memref<3x16x4096xf32, #tpu.memory_space<vmem>>, vector<1x16x512xf32>
        %get3A_559 = vector.shape_cast %get3A_558 : vector<1x16x512xf32> to vector<16x512xf32>
        %sub3A_560 = vector.broadcast %broadcast_in_dim3A_299 : vector<16x1xf32> to vector<16x512xf32>
        %sub3A_561 = arith.subf %get3A_559, %sub3A_560 : vector<16x512xf32>
        %get3A_562 = arith.constant 1 : index
        %get3A_563 = arith.constant 0 : index
        %get3A_564 = arith.constant 3584 : index
        %get3A_565 = vector.load %arg0[%get3A_562, %get3A_563, %get3A_564] : memref<3x16x4096xf32, #tpu.memory_space<vmem>>, vector<1x16x512xf32>
        %get3A_566 = vector.shape_cast %get3A_565 : vector<1x16x512xf32> to vector<16x512xf32>
        %sub3A_567 = vector.broadcast %broadcast_in_dim3A_302 : vector<16x1xf32> to vector<16x512xf32>
        %sub3A_568 = arith.subf %get3A_566, %sub3A_567 : vector<16x512xf32>
        %get3A_569 = arith.constant 2 : index
        %get3A_570 = arith.constant 0 : index
        %get3A_571 = arith.constant 3584 : index
        %get3A_572 = vector.load %arg0[%get3A_569, %get3A_570, %get3A_571] : memref<3x16x4096xf32, #tpu.memory_space<vmem>>, vector<1x16x512xf32>
        %get3A_573 = vector.shape_cast %get3A_572 : vector<1x16x512xf32> to vector<16x512xf32>
        %sub3A_574 = vector.broadcast %broadcast_in_dim3A_305 : vector<16x1xf32> to vector<16x512xf32>
        %sub3A_575 = arith.subf %get3A_573, %sub3A_574 : vector<16x512xf32>
        %mul3A_576 = arith.mulf %sub3A_561, %sub3A_561 : vector<16x512xf32>
        %mul3A_577 = arith.mulf %sub3A_575, %sub3A_575 : vector<16x512xf32>
        %add3A_578 = arith.addf %mul3A_576, %mul3A_577 : vector<16x512xf32>
        %mul3A_579 = arith.mulf %sub3A_568, %sub3A_568 : vector<16x512xf32>
        %add3A_580 = arith.addf %add3A_578, %mul3A_579 : vector<16x512xf32>
        %get3A_581 = arith.constant 0 : index
        %get3A_582 = arith.constant 3584 : index
        %get3A_583 = vector.load %arg3[%get3A_581, %get3A_582] : memref<16x4096xf32, #tpu.memory_space<vmem>>, vector<16x512xf32>
        %min3A_584 = arith.minimumf %get3A_583, %add3A_580 : vector<16x512xf32>
        %swap3A_585 = arith.constant 0 : index
        %swap3A_586 = arith.constant 3584 : index
        %swap3A_587 = vector.load %arg3[%swap3A_585, %swap3A_586] : memref<16x4096xf32, #tpu.memory_space<vmem>>, vector<16x512xf32>
        tpu.vector_store %arg3[%swap3A_585, %swap3A_586], %min3A_584 {strides = array<i32>} : memref<16x4096xf32, #tpu.memory_space<vmem>>, vector<16x512xf32>,
        %max3A_588 = arith.maximumf %max3A_554, %min3A_584 : vector<16x512xf32>
        %reduce_max3A = arith.constant dense<0xFF800000> : vector<16xf32>
        %reduce_max3A_589 = vector.multi_reduction <maximumf>, %max3A_588, %reduce_max3A [1] : vector<16x512xf32> to vector<16xf32>
        %broadcast_in_dim3A_590 = vector.shape_cast %reduce_max3A_589 : vector<16xf32> to vector<16x1xf32>
        %get3A_591 = arith.constant 0 : index
        %get3A_592 = arith.constant 0 : index
        %get3A_593 = vector.load %arg3[%get3A_591, %get3A_592] : memref<16x4096xf32, #tpu.memory_space<vmem>>, vector<16x512xf32>
        %eq3A_594 = vector.broadcast %broadcast_in_dim3A_590 : vector<16x1xf32> to vector<16x512xf32>
        %eq3A_595 = arith.cmpf oeq, %get3A_593, %eq3A_594 : vector<16x512xf32>
        %add3A_596 = arith.constant 0 : i32
        %add3A_597 = vector.broadcast %add3A_596 : i32 to vector<16x512xi32>
        %add3A_598 = arith.addi %iota3A_3, %add3A_597 : vector<16x512xi32>
        %jit3A_599 = arith.constant 4096 : i32
        %broadcast_in_dim3A_600 = vector.broadcast %jit3A_599 : i32 to vector<16x512xi32>
        %select_n3A_601 = arith.select %eq3A_595, %add3A_598, %broadcast_in_dim3A_600 : vector<16x512xi1>, vector<16x512xi32>
        %get3A_602 = arith.constant 0 : index
        %get3A_603 = arith.constant 512 : index
        %get3A_604 = vector.load %arg3[%get3A_602, %get3A_603] : memref<16x4096xf32, #tpu.memory_space<vmem>>, vector<16x512xf32>
        %eq3A_605 = vector.broadcast %broadcast_in_dim3A_590 : vector<16x1xf32> to vector<16x512xf32>
        %eq3A_606 = arith.cmpf oeq, %get3A_604, %eq3A_605 : vector<16x512xf32>
        %add3A_607 = arith.constant 512 : i32
        %add3A_608 = vector.broadcast %add3A_607 : i32 to vector<16x512xi32>
        %add3A_609 = arith.addi %iota3A_3, %add3A_608 : vector<16x512xi32>
        %jit3A_610 = arith.constant 4096 : i32
        %broadcast_in_dim3A_611 = vector.broadcast %jit3A_610 : i32 to vector<16x512xi32>
        %select_n3A_612 = arith.select %eq3A_606, %add3A_609, %broadcast_in_dim3A_611 : vector<16x512xi1>, vector<16x512xi32>
        %min3A_613 = arith.minsi %select_n3A_601, %select_n3A_612 : vector<16x512xi32>
        %get3A_614 = arith.constant 0 : index
        %get3A_615 = arith.constant 1024 : index
        %get3A_616 = vector.load %arg3[%get3A_614, %get3A_615] : memref<16x4096xf32, #tpu.memory_space<vmem>>, vector<16x512xf32>
        %eq3A_617 = vector.broadcast %broadcast_in_dim3A_590 : vector<16x1xf32> to vector<16x512xf32>
        %eq3A_618 = arith.cmpf oeq, %get3A_616, %eq3A_617 : vector<16x512xf32>
        %add3A_619 = arith.constant 1024 : i32
        %add3A_620 = vector.broadcast %add3A_619 : i32 to vector<16x512xi32>
        %add3A_621 = arith.addi %iota3A_3, %add3A_620 : vector<16x512xi32>
        %jit3A_622 = arith.constant 4096 : i32
        %broadcast_in_dim3A_623 = vector.broadcast %jit3A_622 : i32 to vector<16x512xi32>
        %select_n3A_624 = arith.select %eq3A_618, %add3A_621, %broadcast_in_dim3A_623 : vector<16x512xi1>, vector<16x512xi32>
        %min3A_625 = arith.minsi %min3A_613, %select_n3A_624 : vector<16x512xi32>
        %get3A_626 = arith.constant 0 : index
        %get3A_627 = arith.constant 1536 : index
        %get3A_628 = vector.load %arg3[%get3A_626, %get3A_627] : memref<16x4096xf32, #tpu.memory_space<vmem>>, vector<16x512xf32>
        %eq3A_629 = vector.broadcast %broadcast_in_dim3A_590 : vector<16x1xf32> to vector<16x512xf32>
        %eq3A_630 = arith.cmpf oeq, %get3A_628, %eq3A_629 : vector<16x512xf32>
        %add3A_631 = arith.constant 1536 : i32
        %add3A_632 = vector.broadcast %add3A_631 : i32 to vector<16x512xi32>
        %add3A_633 = arith.addi %iota3A_3, %add3A_632 : vector<16x512xi32>
        %jit3A_634 = arith.constant 4096 : i32
        %broadcast_in_dim3A_635 = vector.broadcast %jit3A_634 : i32 to vector<16x512xi32>
        %select_n3A_636 = arith.select %eq3A_630, %add3A_633, %broadcast_in_dim3A_635 : vector<16x512xi1>, vector<16x512xi32>
        %min3A_637 = arith.minsi %min3A_625, %select_n3A_636 : vector<16x512xi32>
        %get3A_638 = arith.constant 0 : index
        %get3A_639 = arith.constant 2048 : index
        %get3A_640 = vector.load %arg3[%get3A_638, %get3A_639] : memref<16x4096xf32, #tpu.memory_space<vmem>>, vector<16x512xf32>
        %eq3A_641 = vector.broadcast %broadcast_in_dim3A_590 : vector<16x1xf32> to vector<16x512xf32>
        %eq3A_642 = arith.cmpf oeq, %get3A_640, %eq3A_641 : vector<16x512xf32>
        %add3A_643 = arith.constant 2048 : i32
        %add3A_644 = vector.broadcast %add3A_643 : i32 to vector<16x512xi32>
        %add3A_645 = arith.addi %iota3A_3, %add3A_644 : vector<16x512xi32>
        %jit3A_646 = arith.constant 4096 : i32
        %broadcast_in_dim3A_647 = vector.broadcast %jit3A_646 : i32 to vector<16x512xi32>
        %select_n3A_648 = arith.select %eq3A_642, %add3A_645, %broadcast_in_dim3A_647 : vector<16x512xi1>, vector<16x512xi32>
        %min3A_649 = arith.minsi %min3A_637, %select_n3A_648 : vector<16x512xi32>
        %get3A_650 = arith.constant 0 : index
        %get3A_651 = arith.constant 2560 : index
        %get3A_652 = vector.load %arg3[%get3A_650, %get3A_651] : memref<16x4096xf32, #tpu.memory_space<vmem>>, vector<16x512xf32>
        %eq3A_653 = vector.broadcast %broadcast_in_dim3A_590 : vector<16x1xf32> to vector<16x512xf32>
        %eq3A_654 = arith.cmpf oeq, %get3A_652, %eq3A_653 : vector<16x512xf32>
        %add3A_655 = arith.constant 2560 : i32
        %add3A_656 = vector.broadcast %add3A_655 : i32 to vector<16x512xi32>
        %add3A_657 = arith.addi %iota3A_3, %add3A_656 : vector<16x512xi32>
        %jit3A_658 = arith.constant 4096 : i32
        %broadcast_in_dim3A_659 = vector.broadcast %jit3A_658 : i32 to vector<16x512xi32>
        %select_n3A_660 = arith.select %eq3A_654, %add3A_657, %broadcast_in_dim3A_659 : vector<16x512xi1>, vector<16x512xi32>
        %min3A_661 = arith.minsi %min3A_649, %select_n3A_660 : vector<16x512xi32>
        %get3A_662 = arith.constant 0 : index
        %get3A_663 = arith.constant 3072 : index
        %get3A_664 = vector.load %arg3[%get3A_662, %get3A_663] : memref<16x4096xf32, #tpu.memory_space<vmem>>, vector<16x512xf32>
        %eq3A_665 = vector.broadcast %broadcast_in_dim3A_590 : vector<16x1xf32> to vector<16x512xf32>
        %eq3A_666 = arith.cmpf oeq, %get3A_664, %eq3A_665 : vector<16x512xf32>
        %add3A_667 = arith.constant 3072 : i32
        %add3A_668 = vector.broadcast %add3A_667 : i32 to vector<16x512xi32>
        %add3A_669 = arith.addi %iota3A_3, %add3A_668 : vector<16x512xi32>
        %jit3A_670 = arith.constant 4096 : i32
        %broadcast_in_dim3A_671 = vector.broadcast %jit3A_670 : i32 to vector<16x512xi32>
        %select_n3A_672 = arith.select %eq3A_666, %add3A_669, %broadcast_in_dim3A_671 : vector<16x512xi1>, vector<16x512xi32>
        %min3A_673 = arith.minsi %min3A_661, %select_n3A_672 : vector<16x512xi32>
        %get3A_674 = arith.constant 0 : index
        %get3A_675 = arith.constant 3584 : index
        %get3A_676 = vector.load %arg3[%get3A_674, %get3A_675] : memref<16x4096xf32, #tpu.memory_space<vmem>>, vector<16x512xf32>
        %eq3A_677 = vector.broadcast %broadcast_in_dim3A_590 : vector<16x1xf32> to vector<16x512xf32>
        %eq3A_678 = arith.cmpf oeq, %get3A_676, %eq3A_677 : vector<16x512xf32>
        %add3A_679 = arith.constant 3584 : i32
        %add3A_680 = vector.broadcast %add3A_679 : i32 to vector<16x512xi32>
        %add3A_681 = arith.addi %iota3A_3, %add3A_680 : vector<16x512xi32>
        %jit3A_682 = arith.constant 4096 : i32
        %broadcast_in_dim3A_683 = vector.broadcast %jit3A_682 : i32 to vector<16x512xi32>
        %select_n3A_684 = arith.select %eq3A_678, %add3A_681, %broadcast_in_dim3A_683 : vector<16x512xi1>, vector<16x512xi32>
        %min3A_685 = arith.minsi %min3A_673, %select_n3A_684 : vector<16x512xi32>
        %reduce_min3A = arith.constant dense<2147483647> : vector<16xi32>
        %reduce_min3A_686 = vector.multi_reduction <minsi>, %min3A_685, %reduce_min3A [1] : vector<16x512xi32> to vector<16xi32>
        %broadcast_in_dim3A_687 = vector.shape_cast %reduce_min3A_686 : vector<16xi32> to vector<16x1xi32>
        scf.yield %broadcast_in_dim3A_687, %select_n3A_310, %select_n3A_313, %select_n3A_316, %select_n3A_319 : vector<16x1xi32>, vector<16x128xi32>, vector<16x128xf32>, vector<16x128xf32>, vector<16x128xf32>
      }
      %scan3A_22 = arith.constant 128 : i32
      %mul3A = arith.constant 128 : i32
      %mul3A_23 = arith.muli %scan3A_11, %mul3A : i32
      %multiple_of3A = tpu.assume_multiple %mul3A_23, 128 : i32
      %swap3A_24 = arith.constant 0 : index
      %swap3A_25 = arith.index_cast %multiple_of3A : i32 to index
      %swap3A_26 = vector.load %arg1[%swap3A_24, %swap3A_25] : memref<16x2048xi32, #tpu.memory_space<vmem>>, vector<16x128xi32>
      tpu.vector_store %arg1[%swap3A_24, %swap3A_25], %scan3A_21#1 {strides = array<i32>} : memref<16x2048xi32, #tpu.memory_space<vmem>>, vector<16x128xi32>,
      %swap3A_27 = arith.constant 0 : index
      %swap3A_28 = arith.constant 0 : index
      %swap3A_29 = arith.index_cast %multiple_of3A : i32 to index
      %swap3A_30 = vector.load %arg2[%swap3A_27, %swap3A_28, %swap3A_29] : memref<3x16x2048xf32, #tpu.memory_space<vmem>>, vector<1x16x128xf32>
      %swap3A_31 = vector.shape_cast %swap3A_30 : vector<1x16x128xf32> to vector<16x128xf32>
      %swap3A_32 = vector.shape_cast %scan3A_21#2 : vector<16x128xf32> to vector<1x16x128xf32>
      tpu.vector_store %arg2[%swap3A_27, %swap3A_28, %swap3A_29], %swap3A_32 {strides = array<i32>} : memref<3x16x2048xf32, #tpu.memory_space<vmem>>, vector<1x16x128xf32>,
      %swap3A_33 = arith.constant 1 : index
      %swap3A_34 = arith.constant 0 : index
      %swap3A_35 = arith.index_cast %multiple_of3A : i32 to index
      %swap3A_36 = vector.load %arg2[%swap3A_33, %swap3A_34, %swap3A_35] : memref<3x16x2048xf32, #tpu.memory_space<vmem>>, vector<1x16x128xf32>
      %swap3A_37 = vector.shape_cast %swap3A_36 : vector<1x16x128xf32> to vector<16x128xf32>
      %swap3A_38 = vector.shape_cast %scan3A_21#3 : vector<16x128xf32> to vector<1x16x128xf32>
      tpu.vector_store %arg2[%swap3A_33, %swap3A_34, %swap3A_35], %swap3A_38 {strides = array<i32>} : memref<3x16x2048xf32, #tpu.memory_space<vmem>>, vector<1x16x128xf32>,
      %swap3A_39 = arith.constant 2 : index
      %swap3A_40 = arith.constant 0 : index
      %swap3A_41 = arith.index_cast %multiple_of3A : i32 to index
      %swap3A_42 = vector.load %arg2[%swap3A_39, %swap3A_40, %swap3A_41] : memref<3x16x2048xf32, #tpu.memory_space<vmem>>, vector<1x16x128xf32>
      %swap3A_43 = vector.shape_cast %swap3A_42 : vector<1x16x128xf32> to vector<16x128xf32>
      %swap3A_44 = vector.shape_cast %scan3A_21#4 : vector<16x128xf32> to vector<1x16x128xf32>
      tpu.vector_store %arg2[%swap3A_39, %swap3A_40, %swap3A_41], %swap3A_44 {strides = array<i32>} : memref<3x16x2048xf32, #tpu.memory_space<vmem>>, vector<1x16x128xf32>,
      scf.yield %scan3A_21#0 : vector<16x1xi32>
    }
    %scan3A_10 = arith.constant 16 : i32
    return
  }
}

</mosaic_0001>

<sc_bundles>
// kernel: kernel.4.cloned.1.call-start
scs
__scs_entry_jumppad:
0x0: {  	(pc) =	sbr.rel $0x88, $3  }
0x1: {  	(tag) =	ssettag $0x0;
	lr =	simm.s32 $0x1  }
0x2: {  	[smem:$0x3F9F] =	sst lr;
	_ =	strace $0xD0000000  }
0x3: {  	_ = 	snop  }
0x4: {  	_ = 	snop  }
0x5: {  	_ = 	snop  }
0x6: {  	_ = 	snop  }
0x7: {  	_ = 	snop  }
__scs_overlays_trampoline_lowered:
0x8: {  	[smem:$0x3FAE] =	sst s0  }
0x9: {  	[smem:$0x3FAF] =	sst s1  }
0xa: {  	[smem:$0x3FB0] =	sst s2  }
0xb: {  	[smem:$0x3FB1] =	sst s3  }
0xc: {  	[smem:$0x3FB2] =	sst s4  }
0xd: {  	[smem:$0x3FB3] =	sst s5  }
0xe: {  	[smem:$0x3FB4] =	sst s6  }
0xf: {  	[smem:$0x3FB5] =	sst s7  }
0x10: {  	[smem:$0x3FB6] =	sst s8  }
0x11: {  	[smem:$0x3FB7] =	sst s9;
	s0 =	simm.s32 @!p0 $0x0  }
0x12: {  	s1 =	sld [smem:$0x3F9D];
	s0 =	simm.s32 @p0 $0x1  }
0x13: {  	[smem:$0x3FB8] =	sst s0;
	s0 =	simm.s32 @!p1 $0x0  }
0x14: {  	s2 =	sld [smem:$0x3F9C];
	s0 =	simm.s32 @p1 $0x1  }
0x15: {  	[smem:$0x3FB9] =	sst s0;
	s0 =	simm.s32 @!p2 $0x0  }
0x16: {  	s3 =	sld [smem:$0x3FDB];
	s0 =	simm.s32 @p2 $0x1  }
0x17: {  	s4 =	simm.s32 $0x1BF5;
	[smem:$0x3FBB] =	sst s0  }
0x18: {  	s0 =	sld [smem:$0x3F9E];
	_ =	swait.ge [sflag:s4], $0x0  }
0x19: {  	s7 =	sld [smem:$0x3F9F]  }
0x1a: {  	s8 =	sadd.s32 $0xFFFFE003, lr  }
0x1b: {  	s9 =	sadd.s32 $0xFFFFFEF7, lr;
	s5 =	simm.s32 $0xFFFFFFFF;
	p2 =	slt.u32 s8, $0xFFFFF086  }
0x1c: {  	p1 =	slt.u32 s9, $0xF7A;
	s5 =	simm.s32 @!p2 $0x0  }
0x1d: {  	s5 =	simm.s32 @p1 $0x1;
	p0 =	seq.s32 s7, s2  }
0x1e: {  	s7 =	smul.u32 @!p0 $0xF7A, s2;
	p2 =	seq.s32 @!p0 s5, $0x0  }
0x1f: {  	s9 =	smul.u32 $0xF7A, s1;
	s8 =	simm.s32 @!p0 $0x1BF5;
	p2 =	por !p2, p0  }
0x20: {  	[sflag:s8] =	ssyncset.s32 @!p0 $0xFFFFF086;
	s6 =	sadd.s32 @!p0 s3, s7;
	s7 =	simm.s32 @!p0 $0x108  }
0x21: {  	s3 =	sadd.s32 s3, s9;
	s6 =	sadd.s32 @!p0 $0x88, s6;
	s7 =	simm.s32 @p2 $0x1082  }
0x22: {  	[simem:s7], [sflag:s8] =	dma.local @!p0 [hbm:s6], $0xF7A  }
0x23: {  	s9 =	sor.u32 $0xD0000000, s2;
	s6 =	simm.s32 $0x108;
	_ =	swait.ge @!p0 [sflag:s8], $0x0  }
0x24: {  	s3 =	sadd.s32 $0x88, s3;
	s6 =	simm.s32 @!p1 $0x1082;
	[sflag:s4] =	ssyncset.s32 $0xFFFFF086  }
0x25: {  	[simem:s6], [sflag:s4] =	dma.local [hbm:s3], $0xF7A  }
0x26: {  	[smem:$0x3F9F] =	sst s1;
	(tag) =	ssettag s2;
	_ =	strace s9  }
0x27: {  	s1 =	sld [smem:$0x3FAF]  }
0x28: {  	s2 =	sld [smem:$0x3FB0]  }
0x29: {  	s4 =	sld [smem:$0x3FB2]  }
0x2a: {  	p0 =	seq.s32 s5, $0x0;
	s5 =	sld [smem:$0x3FB3]  }
0x2b: {  	s6 =	sld [smem:$0x3FB4]  }
0x2c: {  	s7 =	sld [smem:$0x3FB5]  }
0x2d: {  	s3 =	simm.s32 $0x108;
	s8 =	sld [smem:$0x3FB6]  }
0x2e: {  	s3 =	simm.s32 @!p0 $0x1082;
	s9 =	sld [smem:$0x3FB7]  }
0x2f: {  	lr =	sadd.s32 s0, s3;
	s0 =	sld [smem:$0x3FAE]  }
0x30: {  	s3 =	sld [smem:$0x3FB1]  }
0x31: {  	[smem:$0x3FBA] =	sst s10  }
0x32: {  	s10 =	sld [smem:$0x3FB8];
	_ =	sdelay $0x3  }
0x33: {  	p0 =	seq.s32 s10, $0x1;
	s10 =	sld [smem:$0x3FBA];
	_ =	sdelay $0x3  }
0x34: {  	[smem:$0x3FBA] =	sst s10  }
0x35: {  	s10 =	sld [smem:$0x3FB9];
	_ =	sdelay $0x3  }
0x36: {  	p1 =	seq.s32 s10, $0x1;
	s10 =	sld [smem:$0x3FBA];
	_ =	sdelay $0x3  }
0x37: {  	[smem:$0x3FBA] =	sst s10  }
0x38: {  	s10 =	sld [smem:$0x3FBB]  }
0x39: {  	_ = 	snop;
	(pc) =	sbr.ind lr, $3  }
0x3a: {  	_ = 	snop  }
0x3b: {  	_ = 	snop  }
0x3c: {  	p2 =	seq.s32 s10, $0x1;
	s10 =	sld [smem:$0x3FBA]  }
0x3d: {  	_ =	shalt  }
0x3e: {  	_ =	shalt  }
0x3f: {  	_ =	shalt  }
0x40: {  	_ =	shalt  }
0x41: {  	_ =	shalt  }
0x42: {  	_ =	shalt  }
0x43: {  	_ =	shalt  }
0x44: {  	_ =	shalt  }
0x45: {  	_ =	shalt  }
0x46: {  	_ =	shalt  }
0x47: {  	_ =	shalt  }
0x48: {  	_ =	shalt  }
0x49: {  	_ =	shalt  }
0x4a: {  	_ =	shalt  }
0x4b: {  	_ =	shalt  }
0x4c: {  	_ =	shalt  }
0x4d: {  	_ =	shalt  }
0x4e: {  	_ =	shalt  }
0x4f: {  	_ =	shalt  }
0x50: {  	_ =	shalt  }
0x51: {  	_ =	shalt  }
0x52: {  	_ =	shalt  }
0x53: {  	_ =	shalt  }
0x54: {  	_ =	shalt  }
0x55: {  	_ =	shalt  }
0x56: {  	_ =	shalt  }
0x57: {  	_ =	shalt  }
0x58: {  	_ =	shalt  }
0x59: {  	_ =	shalt  }
0x5a: {  	_ =	shalt  }
0x5b: {  	_ =	shalt  }
0x5c: {  	_ =	shalt  }
0x5d: {  	_ =	shalt  }
0x5e: {  	_ =	shalt  }
0x5f: {  	_ =	shalt  }
0x60: {  	_ =	shalt  }
0x61: {  	_ =	shalt  }
0x62: {  	_ =	shalt  }
0x63: {  	_ =	shalt  }
0x64: {  	_ =	shalt  }
0x65: {  	_ =	shalt  }
0x66: {  	_ =	shalt  }
0x67: {  	_ =	shalt  }
0x68: {  	_ =	shalt  }
0x69: {  	_ =	shalt  }
0x6a: {  	_ =	shalt  }
0x6b: {  	_ =	shalt  }
0x6c: {  	_ =	shalt  }
0x6d: {  	_ =	shalt  }
0x6e: {  	_ =	shalt  }
0x6f: {  	_ =	shalt  }
0x70: {  	_ =	shalt  }
0x71: {  	_ =	shalt  }
0x72: {  	_ =	shalt  }
0x73: {  	_ =	shalt  }
0x74: {  	_ =	shalt  }
0x75: {  	_ =	shalt  }
0x76: {  	_ =	shalt  }
0x77: {  	_ =	shalt  }
0x78: {  	_ =	shalt  }
0x79: {  	_ =	shalt  }
0x7a: {  	_ =	shalt  }
0x7b: {  	_ =	shalt  }
0x7c: {  	_ =	shalt  }
0x7d: {  	_ =	shalt  }
0x7e: {  	_ =	shalt  }
0x7f: {  	_ =	shalt  }
0x80: {  	_ =	shalt  }
0x81: {  	_ =	shalt  }
0x82: {  	_ =	shalt  }
0x83: {  	_ =	shalt  }
0x84: {  	_ =	shalt  }
0x85: {  	_ =	shalt  }
0x86: {  	_ =	shalt  }
0x87: {  	_ =	shalt  }
.Lfunc_end0:
.L_simem_size_0:
called_computation_lowered:
.L_overlay_start_0:
0x88: {  	s2 =	sld [smem:$0x3FD9]  }
0x89: {  	s3 =	sld [smem:$0x3FFE];
	_ =	sdelay $0x1  }
0x8a: {  	s1 =	srdreg.scid  }
0x8b: {  	s0 =	sand.u32 $0x1, s1  }
0x8c: {  	s14 =	sshll.u32 s0, $0xA;
	s2 =	sadd.s32 s3, s2  }
0x8d: {  	s2 =	sadd.s32 s2, s14  }
0x8e: {  	[smem:$0x3FC6] =	sst s2  }
0x8f: {  	_ = 	snop  }
0x90: {  	s2 =	sld [smem:$0x3FD0];
	_ =	sdelay $0x2  }
0x91: {  	s15 =	simm.s32 $0xA;
	s4 =	simm.s32 $0x10  }
0x92: {  	[smem:s4], [sflag:s15] =	dma.local [hbm:s2], $0x1  }
0x93: {  	_ =	swait.eq [sflag:s15], $0x1  }
0x94: {  	[sflag:s15] =	ssyncset.done $0x0  }
0x95: {  	[sflag:s15] =	ssyncadd.s32 $0xFFFFFFFF  }
0x96: {  	s16 =	sld [smem:$0x11];
	(tm) =	ssettm $0x1  }
0x97: {  	s17 =	sld [smem:$0x3FFB];
	_ =	sdelay $0x3  }
0x98: {  	_ =	strace s17  }
0x99: {  	s3 =	sld [smem:$0x3FFC];
	_ =	sdelay $0x3  }
0x9a: {  	_ =	strace s3  }
0x9b: {  	s3 =	sld [smem:$0x3FFD];
	_ =	sdelay $0x3  }
0x9c: {  	_ =	strace s3  }
0x9d: {  	_ =	strace $0x8FFFFFFF  }
0x9e: {  	s18 =	sld [smem:$0x3FDB];
	_ =	sdelay $0x1  }
0x9f: {  	s19 =	simm.s32 $_scs_section_size  }
0xa0: {  	s5 =	simm.s32 $_size__tile_overlayer_lowered;
	s6 =	simm.s32 $_tile_overlayer_lowered  }
0xa1: {  	s22 =	simm.s32 $0x1BFF;
	s21 =	sshll.u32 s6, $0x1;
	s3 =	sadd.s32 s19, s18  }
0xa2: {  	s7 =	simm.s32 $0x0;
	s20 =	sshll.u32 s5, $0x1;
	s5 =	sadd.s32 s21, s3  }
0xa3: {  	[timem:s7], [sflag:s22] =	dma.local [hbm:s5], s20  }
0xa4: {  	_ =	swait.ge [sflag:s22], s20  }
0xa5: {  	s4 =	ssub.s32 $0x0, s20;
	[sflag:s22] =	ssyncset.done $0x0  }
0xa6: {  	[sflag:s22] =	ssyncadd.s32 s4;
	_ =	sdelay $0x1  }
0xa7: {  	s23 =	simm.s32 $0x1B8B  }
0xa8: {  	_ =	swait.ge [sflag:s23], $0x1  }
0xa9: {  	[sflag:s23] =	ssyncset.done $0x0  }
0xaa: {  	s25 =	simm.s32 $0x1B8E;
	s24 =	sld [smem:$0x3FFE];
	[sflag:s23] =	ssyncadd.s32 $0xFFFFFFFF  }
0xab: {  	s26 =	simm.s32 $execute0_lowered;
	[smem:$0x3FD2] =	sst s25  }
0xac: {  	s5 =	sshll.u32 s26, $0x1;
	_ =	strace $0x80000046;
	[dreg:$0x1] =	wrdreg $0xFFFFFFFF  }
0xad: {  	s28 =	simm.s32 $_size_execute0_lowered;
	s3 =	sadd.s32 s3, s5;
	[dreg:$0x0] =	wrdreg $0x0  }
0xae: {  	s5 =	sshll.u32 s28, $0x1;
	[dreg:$0x2] =	wrdreg s3  }
0xaf: {  	[dreg:$0x3] =	wrdreg s5  }
0xb0: {  	[dreg:$0x4] =	wrdreg $0xC0  }
0xb1: {  	_ =	task [dreg:s7], $0x5FFFF  }
0xb2: {  	[dreg:$0x1] =	wrdreg $0xFFFFFFFF  }
0xb3: {  	[dreg:$0x0] =	wrdreg $0x60  }
0xb4: {  	[dreg:$0x2] =	wrdreg s24  }
0xb5: {  	[dreg:$0x3] =	wrdreg s16  }
0xb6: {  	[dreg:$0x4] =	wrdreg $0x9  }
0xb7: {  	_ =	task.clear_ibuf [dreg:s7], $0x5FFFF;
	_ =	strace $0x90000046  }
0xb8: {  	s29 =	simm.s32 $0x9;
	_ =	strace $0x80000048  }
0xb9: {  	_ =	swait.ge [sflag:s29], $0x1  }
0xba: {  	[sflag:s29] =	ssyncadd.s32 $0xFFFFFFFF  }
0xbb: {  	_ =	strace $0x90000048  }
0xbc: {  	_ =	sfence  }
0xbd: {  	s30 =	sld [smem:$0x0];
	_ =	sdelay $0x2  }
0xbe: {  	s31 =	sshll.u32 s1, $0xD;
	s1 =	sshrl.u32 s1, $0x2  }
0xbf: {  	s3 =	sand.u32 $0x4000, s31;
	s1 =	sadd.s32 s1, s30  }
0xc0: {  	s0 =	sor.u32 s3, s0;
	s1 =	sshll.u32 s1, $0x11  }
0xc1: {  	s0 =	sor.u32 s1, s0  }
0xc2: {  	s0 =	sadd.s32 $0x8F2B, s0  }
0xc3: {  	[sflag:s0] =	ssyncadd.remote.s32 $0x1  }
0xc4: {  	_ =	sfence.sel $0xFFFF  }
0xc5: {  	[dreg:$0x0] =	wrdreg $0xFFFFFFFF;
	(pc) =	sbr.abs _section_cstart, $3  }
0xc6: {  	[dreg:$0x1] =	wrdreg $0xFFFFFFFF  }
0xc7: {  	_ =	task.clear_ibuf [dreg:s7], $0x2FFFF;
	_ =	strace $0x9FFFFFFF  }
0xc8: {  	(tm) =	ssettm $0x7FFFFFFF  }
0xc9: {  	_ =	shalt  }
tec
execute0_lowered:
.L_overlay_start_1:
0x0: {  	(tag) =	ssettag $0x1  }
0x1: {  	s1 =	srdreg.scid;
	s6 =	rddreg [dreg:$0x0]  }
0x2: {  	s0 =	stileid.u32;
	s7 =	rddreg [dreg:$0x1];
	s2 =	simm.s32 $0x0  }
0x3: {  	s3 =	simm.s32 $0x1;
	s4 =	simm.s32 $0x1;
	s12 =	simm.s32 $0x100  }
0x4: {  	s13 =	simm.s32 $0x4400;
	s14 =	simm.s32 $0x180;
	s15 =	simm.s32 $0x6400  }
0x5: {  	s16 =	simm.s32 $0x200;
	s17 =	simm.s32 $0x8400;
	s5 =	sand.u32 $0x1, s1  }
0x6: {  	s18 =	simm.s32 $0x280;
	s19 =	simm.s32 $0xA400;
	s1 =	sor.u32 s5, s0  }
0x7: {  	s20 =	simm.s32 $0x300;
	p1 =	seq.s32 s5, $0x1;
	p0 =	seq.s32 s1, $0x0  }
0x8: {  	s21 =	simm.s32 $0xC400;
	s23 =	simm.s32 $0xE400;
	p0 =	por !p0, !p1  }
0x9: {  	s24 =	simm.s32 $0x0;
	[smem:$0x7FF] =	sst s2;
	p0 =	por !p0, !p0  }
0xa: {  	s9 =	sshll.u32 s5, $0xA;
	s5 =	ssub.s32 $0x2, s5;
	s3 =	simm.s32 @!p0 $0x0  }
0xb: {  	s1 =	rddreg [dreg:$0x2];
	s11 =	sshrl.u32 s5, $0x1;
	s8 =	ssub.s32 s0, s3  }
0xc: {  	_ =	strace $0x80000047;
	s31 =	ssub.s32 s5, s11;
	s10 =	sshll.u32 s8, $0xB  }
0xd: {  	s11 =	simm.s32 $0x2400;
	s3 =	sadd.s32 $0x101800, s6;
	s9 =	sor.u32 s9, s10  }
0xe: {  	s22 =	sshll.u32 s8, $0xC;
	s8 =	simm.s32 $0x2;
	s10 =	sshrl.u32 s9, $0x3  }
0xf: {  	v0 =	vmov s22;
	s22 =	simm.s32 $0x380;
	s9 =	sshll.u32 s9, $0x3;
	s6 =	sadd.s32 s10, s6  }
0x10: {  	s9 =	sand.u32 $0x1FFFE000, s9;
	s10 =	simm.s32 $0x400;
	s5 =	sadd.s32 $0x800, s6  }
0x11: {  	s6 =	sadd.s32 s7, s9;
	s7 =	smax.u32 s31, $0x1;
	s9 =	simm.s32 $0x80  }
.LBB2_1:
0x12: {  	[tilespmem:s2], [sflag:$0x2] =	stream.linear.gather [hbm4b:s5+s2], $0x400, $0x38;
	[tilespmem:$0x10400] =	vst v63  }
0x13: {  	_ =	swait.ge [sflag:s8], $0x400  }
0x14: {  	[sflag:s8] =	ssyncset.done $0x0  }
0x15: {  	s25 =	simm.s32 $0x0;
	s26 =	simm.s32 $0x40;
	[sflag:s8] =	ssyncadd.s32 $0xFFFFFC00  }
.LBB2_2:
0x16: {  	p0 =	sne.s32 s26, $0xFC0;
	v1 =	vld [tilespmem:s25+$0x0];
	_ =	sdelay $0x1  }
.Ltmp0:
0x17: {  	(pc) =	sbr.rel @p0 .LBB2_2-.Ltmp0, $3  }
0x18: {  	_ =	sdelay $0x1  }
0x19: {  	v1 =	vadd.s32 v0, v1  }
0x1a: {  	[tilespmem:s25+$0x0] =	vst v1;
	s25 =	sshra.s32 s26, $0x2;
	s26 =	sadd.s32 $0x40, s26  }
0x1b: {  	v1 =	vld [tilespmem:s25+$0x0];
	_ =	sdelay $0x4  }
0x1c: {  	v1 =	vadd.s32 v0, v1  }
0x1d: {  	[tilespmem:s25+$0x0] =	vst v1  }
0x1e: {  	[tilespmem:s10], [sflag:$0x1] =	stream.indirect.gather [hbm4b:s3+s9], $0x40, s2, s9, $0xb8;
	[tilespmem:$0x10400] =	vst v63  }
0x1f: {  	_ = 	snop  }
0x20: {  	[tilespmem:s11], [sflag:$0x1] =	stream.indirect.gather [hbm4b:s3+s9], $0x40, s9, s9, $0xb8;
	[tilespmem:$0x10400] =	vst v63  }
0x21: {  	_ = 	snop  }
0x22: {  	[tilespmem:s13], [sflag:$0x1] =	stream.indirect.gather [hbm4b:s3+s9], $0x40, s12, s9, $0xb8;
	[tilespmem:$0x10400] =	vst v63  }
0x23: {  	_ = 	snop  }
0x24: {  	[tilespmem:s15], [sflag:$0x1] =	stream.indirect.gather [hbm4b:s3+s9], $0x40, s14, s9, $0xb8;
	[tilespmem:$0x10400] =	vst v63  }
0x25: {  	_ = 	snop  }
0x26: {  	[tilespmem:s17], [sflag:$0x1] =	stream.indirect.gather [hbm4b:s3+s9], $0x40, s16, s9, $0xb8;
	[tilespmem:$0x10400] =	vst v63  }
0x27: {  	_ = 	snop  }
0x28: {  	[tilespmem:s19], [sflag:$0x1] =	stream.indirect.gather [hbm4b:s3+s9], $0x40, s18, s9, $0xb8;
	[tilespmem:$0x10400] =	vst v63  }
0x29: {  	_ = 	snop  }
0x2a: {  	[tilespmem:s21], [sflag:$0x1] =	stream.indirect.gather [hbm4b:s3+s9], $0x40, s20, s9, $0xb8;
	[tilespmem:$0x10400] =	vst v63  }
0x2b: {  	_ = 	snop  }
0x2c: {  	[tilespmem:s23], [sflag:$0x1] =	stream.indirect.gather [hbm4b:s3+s9], $0x40, s22, s9, $0xb8;
	[tilespmem:$0x10400] =	vst v63  }
0x2d: {  	_ =	swait.ge [sflag:s4], $0x2000  }
0x2e: {  	[sflag:s4] =	ssyncset.done $0x0  }
0x2f: {  	[sflag:s4] =	ssyncadd.s32 $0xFFFFE000  }
0x30: {  	_ =	swait.ge [sflag:s4], $0x2000  }
0x31: {  	[sflag:s4] =	ssyncset.done $0x0  }
0x32: {  	[sflag:s4] =	ssyncadd.s32 $0xFFFFE000  }
0x33: {  	_ =	swait.ge [sflag:s4], $0x2000  }
0x34: {  	[sflag:s4] =	ssyncset.done $0x0  }
0x35: {  	[sflag:s4] =	ssyncadd.s32 $0xFFFFE000  }
0x36: {  	_ =	swait.ge [sflag:s4], $0x2000  }
0x37: {  	[sflag:s4] =	ssyncset.done $0x0  }
0x38: {  	[sflag:s4] =	ssyncadd.s32 $0xFFFFE000  }
0x39: {  	_ =	swait.ge [sflag:s4], $0x2000  }
0x3a: {  	[sflag:s4] =	ssyncset.done $0x0  }
0x3b: {  	[sflag:s4] =	ssyncadd.s32 $0xFFFFE000  }
0x3c: {  	_ =	swait.ge [sflag:s4], $0x2000  }
0x3d: {  	[sflag:s4] =	ssyncset.done $0x0  }
0x3e: {  	[sflag:s4] =	ssyncadd.s32 $0xFFFFE000  }
0x3f: {  	_ =	swait.ge [sflag:s4], $0x2000  }
0x40: {  	[sflag:s4] =	ssyncset.done $0x0  }
0x41: {  	[sflag:s4] =	ssyncadd.s32 $0xFFFFE000  }
0x42: {  	s24 =	sadd.s32 $0x1, s24;
	_ =	swait.ge [sflag:s4], $0x2000  }
0x43: {  	p0 =	sne.s32 s24, s7;
	[sflag:s4] =	ssyncset.done $0x0  }
.Ltmp1:
0x44: {  	[sflag:s4] =	ssyncadd.s32 $0xFFFFE000;
	(pc) =	sbr.rel @p0 .LBB2_1-.Ltmp1, $4  }
0x45: {  	[hbm4b:s6+s2] =	stream.linear.scatter [tilespmem:s10], [sflag:$0x2], $0x10000, $0x38;
	[tilespmem:$0x10400] =	vst v63  }
0x46: {  	_ =	swait.ge [sflag:s8], $0x10000  }
0x47: {  	[sflag:s8] =	ssyncset.done $0x0  }
0x48: {  	[sflag:s8] =	ssyncadd.s32 $0xFFFF0000  }
0x49: {  	_ =	sfence.sel $0x180000  }
0x4a: {  	[bflag:$0x0] =	sbarrier.arrive $0xFFFF  }
0x4b: {  	p0 =	sne.s32 s0, $0x0;
	_ =	strace $0x90000047  }
0x4c: {  	s0 =	sadd.s32 @!p0 $0x100000, s1;
	[bflag:$0x2] =	sbarrier.arrive $0xFFFF  }
0x4d: {  	[sflag:s0] =	ssyncadd.tile.s32 @!p0 $0x1;
	_ =	shalt  }
.Lfunc_end2:
_tile_overlayer_lowered:
.L_overlay_start_2:
0x4e: {  	(tag) =	ssettag $0x2  }
0x4f: {  	s0 =	rddreg [dreg:$0x0];
	s2 =	stileid.u32  }
0x50: {  	s1 =	rddreg [dreg:$0x1];
	p0 =	sne.s32 s2, $0x0  }
0x51: {  	s3 =	rddreg [dreg:$0x2];
	[bflag:$0x3] =	sbarrier.arrive $0xFFFF;
	s2 =	simm.s32 @!p0 $0x1C02  }
0x52: {  	[timem:s3], [sflag:s2] =	dma.local @!p0 [hbm:s0], s1  }
0x53: {  	s0 =	simm.s32 @!p0 $0x2  }
0x54: {  	_ =	swait.ge @!p0 [sflag:s0], s1  }
0x55: {  	s1 =	ssub.s32 @!p0 $0x0, s1;
	[sflag:s0] =	ssyncset.done @!p0 $0x0  }
0x56: {  	[sflag:s0] =	ssyncadd.s32 @!p0 s1  }
0x57: {  	[bflag:$0x3] =	sbarrier.arrive $0xFFFF  }
0x58: {  	_ =	shalt  }

</sc_bundles>
